<compile_context>
chip_gen: v7x
topology: tpu7x:2x2x1
jax: 0.10.2.dev20260603
libtpu: 0.0.44.dev20260713+nightly
codegen_flags: <defaults>
</compile_context>

<pallas_src>
import jax
import jax.numpy as jnp
from jax import lax
from jax.experimental import pallas as pl
from jax.experimental.pallas import tpu as pltpu
from jax.experimental.pallas import tpu_sc as plsc

B = 4
H = W = 512
HW = H * W
NM = 2048
NU = 1024
MP = NM // 4
UP = NU // 4
OFF_MA = 0
OFF_MB = OFF_MA + 8 * NM * 2
OFF_UA = OFF_MB + 8 * NM * 2
OFF_UB = OFF_UA + 8 * NU * 2

_mesh = plsc.VectorSubcoreMesh(core_axis_name="c", subcore_axis_name="s")

_SCRATCH = [
        pltpu.VMEM((2 * MP,), jnp.int32),
        pltpu.VMEM((2 * MP,), jnp.int32),
        pltpu.VMEM((2 * UP,), jnp.int32),
        pltpu.VMEM((2 * UP,), jnp.int32),
        pltpu.VMEM((MP,), jnp.int32),
        pltpu.VMEM((MP,), jnp.int32),
        pltpu.VMEM((UP,), jnp.int32),
        pltpu.VMEM((UP,), jnp.int32),
        pltpu.VMEM((MP,), jnp.float32),
        pltpu.VMEM((MP,), jnp.float32),
        pltpu.VMEM((UP,), jnp.float32),
        pltpu.VMEM((UP,), jnp.float32),
        pltpu.VMEM((16,), jnp.float32),
        pltpu.SemaphoreType.DMA,
]


def _betti_body(pred_hbm, tgt_hbm, coords_hbm, out_hbm,
                cMA, cMB, cUA, cUB, iMA, iMB, iUA, iUB,
                vMA, vMB, vUA, vUB, accbuf, sem):
    c = lax.axis_index("c")
    s = lax.axis_index("s")
    wid = c * 16 + s
    seg = wid // 4
    part = wid % 4
    b = seg // 2
    kind = seg % 2

    moff = seg * (2 * NM) + part * (2 * MP)
    uoff = seg * (2 * NU) + part * (2 * UP)
    h0 = pltpu.async_copy(coords_hbm.at[pl.ds(OFF_MA + moff, 2 * MP)], cMA, sem)
    h1 = pltpu.async_copy(coords_hbm.at[pl.ds(OFF_MB + moff, 2 * MP)], cMB, sem)
    h2 = pltpu.async_copy(coords_hbm.at[pl.ds(OFF_UA + uoff, 2 * UP)], cUA, sem)
    h3 = pltpu.async_copy(coords_hbm.at[pl.ds(OFF_UB + uoff, 2 * UP)], cUB, sem)
    h0.wait()
    h1.wait()
    h2.wait()
    h3.wait()

    base = b * HW

    def _build_m(k, _):
        o = 16 * k
        iMA[pl.ds(o, 16)] = cMA[pl.ds(o, 16)] * W + cMA[pl.ds(MP + o, 16)] + base
        iMB[pl.ds(o, 16)] = cMB[pl.ds(o, 16)] * W + cMB[pl.ds(MP + o, 16)] + base
        return _

    def _build_u(k, _):
        o = 16 * k
        iUA[pl.ds(o, 16)] = cUA[pl.ds(o, 16)] * W + cUA[pl.ds(UP + o, 16)] + base
        iUB[pl.ds(o, 16)] = cUB[pl.ds(o, 16)] * W + cUB[pl.ds(UP + o, 16)] + base
        return _

    lax.fori_loop(0, MP // 16, _build_m, 0)
    lax.fori_loop(0, UP // 16, _build_u, 0)

    handles = []
    for ch in range(MP // 128):
        handles.append(pltpu.async_copy(
            pred_hbm.at[iMA.at[pl.ds(128 * ch, 128)]],
            vMA.at[pl.ds(128 * ch, 128)], sem))
        handles.append(pltpu.async_copy(
            tgt_hbm.at[iMB.at[pl.ds(128 * ch, 128)]],
            vMB.at[pl.ds(128 * ch, 128)], sem))

    @pl.when(kind == 0)
    def _():
        hs = []
        for ch in range(UP // 128):
            hs.append(pltpu.async_copy(
                pred_hbm.at[iUA.at[pl.ds(128 * ch, 128)]],
                vUA.at[pl.ds(128 * ch, 128)], sem))
            hs.append(pltpu.async_copy(
                pred_hbm.at[iUB.at[pl.ds(128 * ch, 128)]],
                vUB.at[pl.ds(128 * ch, 128)], sem))
        for h in hs:
            h.wait()

    @pl.when(kind == 1)
    def _():
        hs = []
        for ch in range(UP // 128):
            hs.append(pltpu.async_copy(
                tgt_hbm.at[iUA.at[pl.ds(128 * ch, 128)]],
                vUA.at[pl.ds(128 * ch, 128)], sem))
            hs.append(pltpu.async_copy(
                tgt_hbm.at[iUB.at[pl.ds(128 * ch, 128)]],
                vUB.at[pl.ds(128 * ch, 128)], sem))
        for h in hs:
            h.wait()

    for h in handles:
        h.wait()

    def _acc_m(k, a):
        o = 16 * k
        d = vMA[pl.ds(o, 16)] - vMB[pl.ds(o, 16)]
        return a + d * d

    def _acc_u(k, a):
        o = 16 * k
        d = vUA[pl.ds(o, 16)] - vUB[pl.ds(o, 16)]
        return a + d * d

    acc_m = lax.fori_loop(0, MP // 16, _acc_m, jnp.zeros((16,), jnp.float32))
    acc_u = lax.fori_loop(0, UP // 16, _acc_u, jnp.zeros((16,), jnp.float32))
    part_acc = (acc_m * 2.0 + acc_u) * (1.0 / B)

    ssum = jnp.float32(0.0)
    for i in range(16):
        ssum = ssum + part_acc[i]
    accbuf[...] = jnp.full((16,), ssum, jnp.float32)
    pltpu.sync_copy(accbuf, out_hbm.at[wid])


_betti_sc = pl.kernel(
    _betti_body,
    out_type=jax.ShapeDtypeStruct((32, 16), jnp.float32),
    mesh=_mesh,
    scratch_types=_SCRATCH,
)


def kernel(input, target, pred_matched_birth, pred_matched_death,
           tgt_matched_birth, tgt_matched_death,
           pred_unmatched_birth, pred_unmatched_death,
           tgt_unmatched_birth, tgt_unmatched_death):
    pred = input.reshape(B * HW)
    tgt = target.reshape(B * HW)
    def _blk(lhs, rhs, n_pairs):
        a = jnp.stack([lhs, rhs], axis=1)
        a = a.reshape(8, 4, n_pairs // 4, 2)
        return jnp.swapaxes(a, 2, 3).reshape(-1)

    ma = _blk(pred_matched_birth, pred_matched_death, NM)
    mb = _blk(tgt_matched_birth, tgt_matched_death, NM)
    ua = _blk(pred_unmatched_birth, tgt_unmatched_birth, NU)
    ub = _blk(pred_unmatched_death, tgt_unmatched_death, NU)
    coords = jnp.concatenate([ma, mb, ua, ub])
    out = _betti_sc(pred, tgt, coords)
    return out[:, 0].sum()

# --- scband reference (transcript-rebuilt; emitter-appended) ---
"""Pipeline reference for scband-betti-matching-loss-25048249270808 (READ-ONLY COPY).

The authoritative reference and input builder live on the scoring server;
editing this copy changes nothing except your own understanding.
"""

import jax, jax.numpy as jnp
import numpy as np


def setup_inputs(seed: int = 0) -> dict:
    key = jax.random.key(seed)
    ks = jax.random.split(key, 12)
    B, H, W = 4, 512, 512
    Nm, Nu = 2048, 1024
    inp = {}
    inp['input'] = jax.random.uniform(ks[0], (B, 1, H, W), dtype=jnp.float32)
    inp['target'] = jax.random.uniform(ks[1], (B, 1, H, W), dtype=jnp.float32)
    matched_names = ['pred_matched_birth', 'pred_matched_death', 'tgt_matched_birth', 'tgt_matched_death']
    for i, n in enumerate(matched_names):
        inp[n] = jax.random.randint(ks[2 + i], (B, Nm, 2), 0, H, dtype=jnp.int32)
    unmatched_names = ['pred_unmatched_birth', 'pred_unmatched_death', 'tgt_unmatched_birth', 'tgt_unmatched_death']
    for i, n in enumerate(unmatched_names):
        inp[n] = jax.random.randint(ks[6 + i], (B, Nu, 2), 0, H, dtype=jnp.int32)
    return inp


def _gather2d(field, coords):
    # field: (H, W), coords: (N, 2) integer voxel coordinates
    return field[coords[:, 0], coords[:, 1]]


def _per_sample(p, t, pmb, pmd, tmb, tmd, pub, pud, tub, tud):
    # matched pairs: push pred (birth, death) toward tgt (birth, death)
    pred_pairs = jnp.stack([_gather2d(p, pmb), _gather2d(p, pmd)], axis=1)
    tgt_pairs = jnp.stack([_gather2d(t, tmb), _gather2d(t, tmd)], axis=1)
    loss_matched = 2.0 * jnp.sum((pred_pairs - tgt_pairs) ** 2)
    # unmatched pairs pushed to the diagonal: sum((birth - death)^2)
    loss_unmatched_pred = jnp.sum((_gather2d(p, pub) - _gather2d(p, pud)) ** 2)
    loss_unmatched_tgt = jnp.sum((_gather2d(t, tub) - _gather2d(t, tud)) ** 2)
    return loss_matched + loss_unmatched_pred + loss_unmatched_tgt


def reference(input, target, pred_matched_birth, pred_matched_death,
              tgt_matched_birth, tgt_matched_death,
              pred_unmatched_birth, pred_unmatched_death,
              tgt_unmatched_birth, tgt_unmatched_death):
    # input/target are probabilities in [0, 1] (single foreground channel),
    # so the sigmoid branch of the original module is skipped (min>=0, max<=1).
    pred_fg = input[:, 0]
    tgt_fg = target[:, 0]
    losses = jax.vmap(_per_sample)(
        pred_fg, tgt_fg,
        pred_matched_birth, pred_matched_death,
        tgt_matched_birth, tgt_matched_death,
        pred_unmatched_birth, pred_unmatched_death,
        tgt_unmatched_birth, tgt_unmatched_death)
    return jnp.mean(losses)

if __name__ == "__main__":
    import jax
    _d = setup_inputs()
    print(jax.jit(kernel)(*tuple(_d.values())))

</pallas_src>

<mosaic_0001>
#map = affine_map<(d0, d1) -> (0)>
#map1 = affine_map<(d0, d1) -> (0, 0)>
module attributes {stable_mosaic.version = 14 : i64} {
  func.func @_betti_body(%arg0: i32, %arg1: i32, %arg2: memref<1048576xf32, #tpu.memory_space<hbm>>, %arg3: memref<1048576xf32, #tpu.memory_space<hbm>>, %arg4: memref<98304xi32, #tpu.memory_space<hbm>>, %arg5: memref<32x16xf32, #tpu.memory_space<hbm>>, %arg6: memref<1024xi32, #tpu.memory_space<vmem>>, %arg7: memref<1024xi32, #tpu.memory_space<vmem>>, %arg8: memref<512xi32, #tpu.memory_space<vmem>>, %arg9: memref<512xi32, #tpu.memory_space<vmem>>, %arg10: memref<512xi32, #tpu.memory_space<vmem>>, %arg11: memref<512xi32, #tpu.memory_space<vmem>>, %arg12: memref<256xi32, #tpu.memory_space<vmem>>, %arg13: memref<256xi32, #tpu.memory_space<vmem>>, %arg14: memref<512xf32, #tpu.memory_space<vmem>>, %arg15: memref<512xf32, #tpu.memory_space<vmem>>, %arg16: memref<256xf32, #tpu.memory_space<vmem>>, %arg17: memref<256xf32, #tpu.memory_space<vmem>>, %arg18: memref<16xf32, #tpu.memory_space<vmem>>, %arg19: memref<!tpu.dma_semaphore, #tpu.memory_space<semaphore_mem>>) attributes {dimension_semantics = [#tpu.dimension_semantics<core_parallel>, #tpu.dimension_semantics<subcore_parallel>], iteration_bounds = array<i64: 2, 16>, scalar_prefetch = 0 : i64, scratch_operands = 14 : i64, tpu.core_type = #tpu.core_type<sc_vector_subcore>, window_params = [{transform_indices = #map}, {transform_indices = #map}, {transform_indices = #map}, {transform_indices = #map1}]} {
    %mul3A = arith.constant 16 : i32
    %mul3A_0 = arith.muli %arg0, %mul3A : i32
    %add3A = arith.addi %mul3A_0, %arg1 : i32
    %jit3A = arith.constant 4 : i32
    %div3A = arith.divsi %add3A, %jit3A : i32
    %sign3A = arith.constant 0 : i32
    %sign3A_1 = arith.cmpi sgt, %add3A, %sign3A : i32
    %sign3A_2 = arith.extui %sign3A_1 : i1 to i32
    %sign3A_3 = arith.constant 0 : i32
    %sign3A_4 = arith.cmpi slt, %add3A, %sign3A_3 : i32
    %sign3A_5 = arith.extui %sign3A_4 : i1 to i32
    %sign3A_6 = arith.subi %sign3A_2, %sign3A_5 : i32
    %sign3A_7 = arith.constant 0 : i32
    %sign3A_8 = arith.cmpi sgt, %jit3A, %sign3A_7 : i32
    %sign3A_9 = arith.extui %sign3A_8 : i1 to i32
    %sign3A_10 = arith.constant 0 : i32
    %sign3A_11 = arith.cmpi slt, %jit3A, %sign3A_10 : i32
    %sign3A_12 = arith.extui %sign3A_11 : i1 to i32
    %sign3A_13 = arith.subi %sign3A_9, %sign3A_12 : i32
    %ne3A = arith.cmpi ne, %sign3A_6, %sign3A_13 : i32
    %rem3A = arith.remsi %add3A, %jit3A : i32
    %ne3A_14 = arith.constant 0 : i32
    %ne3A_15 = arith.cmpi ne, %rem3A, %ne3A_14 : i32
    %and3A = arith.andi %ne3A, %ne3A_15 : i1
    %sub3A = arith.constant 1 : i32
    %sub3A_16 = arith.subi %div3A, %sub3A : i32
    %select_n3A = arith.select %and3A, %sub3A_16, %div3A : i32
    %jit3A_17 = arith.constant 4 : i32
    %eq3A = arith.constant 0 : i32
    %eq3A_18 = arith.cmpi eq, %jit3A_17, %eq3A : i32
    %jit3A_19 = arith.constant 1 : i32
    %select_n3A_20 = arith.select %eq3A_18, %jit3A_19, %jit3A_17 : i32
    %rem3A_21 = arith.remsi %add3A, %select_n3A_20 : i32
    %ne3A_22 = arith.constant 0 : i32
    %ne3A_23 = arith.cmpi ne, %rem3A_21, %ne3A_22 : i32
    %lt3A = arith.constant 0 : i32
    %lt3A_24 = arith.cmpi slt, %rem3A_21, %lt3A : i32
    %lt3A_25 = arith.constant 0 : i32
    %lt3A_26 = arith.cmpi slt, %select_n3A_20, %lt3A_25 : i32
    %ne3A_27 = arith.xori %lt3A_24, %lt3A_26 : i1
    %and3A_28 = arith.andi %ne3A_27, %ne3A_23 : i1
    %add3A_29 = arith.addi %rem3A_21, %select_n3A_20 : i32
    %select_n3A_30 = arith.select %and3A_28, %add3A_29, %rem3A_21 : i32
    %jit3A_31 = arith.constant 2 : i32
    %div3A_32 = arith.divsi %select_n3A, %jit3A_31 : i32
    %sign3A_33 = arith.constant 0 : i32
    %sign3A_34 = arith.cmpi sgt, %select_n3A, %sign3A_33 : i32
    %sign3A_35 = arith.extui %sign3A_34 : i1 to i32
    %sign3A_36 = arith.constant 0 : i32
    %sign3A_37 = arith.cmpi slt, %select_n3A, %sign3A_36 : i32
    %sign3A_38 = arith.extui %sign3A_37 : i1 to i32
    %sign3A_39 = arith.subi %sign3A_35, %sign3A_38 : i32
    %sign3A_40 = arith.constant 0 : i32
    %sign3A_41 = arith.cmpi sgt, %jit3A_31, %sign3A_40 : i32
    %sign3A_42 = arith.extui %sign3A_41 : i1 to i32
    %sign3A_43 = arith.constant 0 : i32
    %sign3A_44 = arith.cmpi slt, %jit3A_31, %sign3A_43 : i32
    %sign3A_45 = arith.extui %sign3A_44 : i1 to i32
    %sign3A_46 = arith.subi %sign3A_42, %sign3A_45 : i32
    %ne3A_47 = arith.cmpi ne, %sign3A_39, %sign3A_46 : i32
    %rem3A_48 = arith.remsi %select_n3A, %jit3A_31 : i32
    %ne3A_49 = arith.constant 0 : i32
    %ne3A_50 = arith.cmpi ne, %rem3A_48, %ne3A_49 : i32
    %and3A_51 = arith.andi %ne3A_47, %ne3A_50 : i1
    %sub3A_52 = arith.constant 1 : i32
    %sub3A_53 = arith.subi %div3A_32, %sub3A_52 : i32
    %select_n3A_54 = arith.select %and3A_51, %sub3A_53, %div3A_32 : i32
    %jit3A_55 = arith.constant 2 : i32
    %eq3A_56 = arith.constant 0 : i32
    %eq3A_57 = arith.cmpi eq, %jit3A_55, %eq3A_56 : i32
    %jit3A_58 = arith.constant 1 : i32
    %select_n3A_59 = arith.select %eq3A_57, %jit3A_58, %jit3A_55 : i32
    %rem3A_60 = arith.remsi %select_n3A, %select_n3A_59 : i32
    %ne3A_61 = arith.constant 0 : i32
    %ne3A_62 = arith.cmpi ne, %rem3A_60, %ne3A_61 : i32
    %lt3A_63 = arith.constant 0 : i32
    %lt3A_64 = arith.cmpi slt, %rem3A_60, %lt3A_63 : i32
    %lt3A_65 = arith.constant 0 : i32
    %lt3A_66 = arith.cmpi slt, %select_n3A_59, %lt3A_65 : i32
    %ne3A_67 = arith.xori %lt3A_64, %lt3A_66 : i1
    %and3A_68 = arith.andi %ne3A_67, %ne3A_62 : i1
    %add3A_69 = arith.addi %rem3A_60, %select_n3A_59 : i32
    %select_n3A_70 = arith.select %and3A_68, %add3A_69, %rem3A_60 : i32
    %mul3A_71 = arith.constant 4096 : i32
    %mul3A_72 = arith.muli %select_n3A, %mul3A_71 : i32
    %mul3A_73 = arith.constant 1024 : i32
    %mul3A_74 = arith.muli %select_n3A_30, %mul3A_73 : i32
    %add3A_75 = arith.addi %mul3A_72, %mul3A_74 : i32
    %mul3A_76 = arith.constant 2048 : i32
    %mul3A_77 = arith.muli %select_n3A, %mul3A_76 : i32
    %mul3A_78 = arith.constant 512 : i32
    %mul3A_79 = arith.muli %select_n3A_30, %mul3A_78 : i32
    %add3A_80 = arith.addi %mul3A_77, %mul3A_79 : i32
    %add3A_81 = arith.constant 0 : i32
    %add3A_82 = arith.addi %add3A_81, %add3A_75 : i32
    %dma_start3A = tpu.memref_slice %arg4[%add3A_82] : memref<98304xi32, #tpu.memory_space<hbm>> -> memref<1024xi32, #tpu.memory_space<hbm>>
    %dma_start3A_83 = tpu.memref_slice %arg4[%add3A_82] : memref<98304xi32, #tpu.memory_space<hbm>> -> memref<1024xi32, #tpu.memory_space<hbm>>
    tpu.enqueue_dma source(%dma_start3A_83 : memref<1024xi32, #tpu.memory_space<hbm>>) target(%arg6 : memref<1024xi32, #tpu.memory_space<vmem>>) target_semaphore(%arg19 : memref<!tpu.dma_semaphore, #tpu.memory_space<semaphore_mem>>)
    %add3A_84 = arith.constant 32768 : i32
    %add3A_85 = arith.addi %add3A_84, %add3A_75 : i32
    %dma_start3A_86 = tpu.memref_slice %arg4[%add3A_85] : memref<98304xi32, #tpu.memory_space<hbm>> -> memref<1024xi32, #tpu.memory_space<hbm>>
    %dma_start3A_87 = tpu.memref_slice %arg4[%add3A_85] : memref<98304xi32, #tpu.memory_space<hbm>> -> memref<1024xi32, #tpu.memory_space<hbm>>
    tpu.enqueue_dma source(%dma_start3A_87 : memref<1024xi32, #tpu.memory_space<hbm>>) target(%arg7 : memref<1024xi32, #tpu.memory_space<vmem>>) target_semaphore(%arg19 : memref<!tpu.dma_semaphore, #tpu.memory_space<semaphore_mem>>)
    %add3A_88 = arith.constant 65536 : i32
    %add3A_89 = arith.addi %add3A_88, %add3A_80 : i32
    %dma_start3A_90 = tpu.memref_slice %arg4[%add3A_89] : memref<98304xi32, #tpu.memory_space<hbm>> -> memref<512xi32, #tpu.memory_space<hbm>>
    %dma_start3A_91 = tpu.memref_slice %arg4[%add3A_89] : memref<98304xi32, #tpu.memory_space<hbm>> -> memref<512xi32, #tpu.memory_space<hbm>>
    tpu.enqueue_dma source(%dma_start3A_91 : memref<512xi32, #tpu.memory_space<hbm>>) target(%arg8 : memref<512xi32, #tpu.memory_space<vmem>>) target_semaphore(%arg19 : memref<!tpu.dma_semaphore, #tpu.memory_space<semaphore_mem>>)
    %add3A_92 = arith.constant 81920 : i32
    %add3A_93 = arith.addi %add3A_92, %add3A_80 : i32
    %dma_start3A_94 = tpu.memref_slice %arg4[%add3A_93] : memref<98304xi32, #tpu.memory_space<hbm>> -> memref<512xi32, #tpu.memory_space<hbm>>
    %dma_start3A_95 = tpu.memref_slice %arg4[%add3A_93] : memref<98304xi32, #tpu.memory_space<hbm>> -> memref<512xi32, #tpu.memory_space<hbm>>
    tpu.enqueue_dma source(%dma_start3A_95 : memref<512xi32, #tpu.memory_space<hbm>>) target(%arg9 : memref<512xi32, #tpu.memory_space<vmem>>) target_semaphore(%arg19 : memref<!tpu.dma_semaphore, #tpu.memory_space<semaphore_mem>>)
    %dma_wait3A = tpu.memref_slice %arg4[%add3A_82] : memref<98304xi32, #tpu.memory_space<hbm>> -> memref<1024xi32, #tpu.memory_space<hbm>>
    %dma_wait3A_96 = tpu.memref_slice %arg4[%add3A_82] : memref<98304xi32, #tpu.memory_space<hbm>> -> memref<1024xi32, #tpu.memory_space<hbm>>
    tpu.wait_dma2 semaphore(%arg19 : memref<!tpu.dma_semaphore, #tpu.memory_space<semaphore_mem>>) src(%dma_wait3A_96 : memref<1024xi32, #tpu.memory_space<hbm>>) dst(%arg6 : memref<1024xi32, #tpu.memory_space<vmem>>)
    %dma_wait3A_97 = tpu.memref_slice %arg4[%add3A_85] : memref<98304xi32, #tpu.memory_space<hbm>> -> memref<1024xi32, #tpu.memory_space<hbm>>
    %dma_wait3A_98 = tpu.memref_slice %arg4[%add3A_85] : memref<98304xi32, #tpu.memory_space<hbm>> -> memref<1024xi32, #tpu.memory_space<hbm>>
    tpu.wait_dma2 semaphore(%arg19 : memref<!tpu.dma_semaphore, #tpu.memory_space<semaphore_mem>>) src(%dma_wait3A_98 : memref<1024xi32, #tpu.memory_space<hbm>>) dst(%arg7 : memref<1024xi32, #tpu.memory_space<vmem>>)
    %dma_wait3A_99 = tpu.memref_slice %arg4[%add3A_89] : memref<98304xi32, #tpu.memory_space<hbm>> -> memref<512xi32, #tpu.memory_space<hbm>>
    %dma_wait3A_100 = tpu.memref_slice %arg4[%add3A_89] : memref<98304xi32, #tpu.memory_space<hbm>> -> memref<512xi32, #tpu.memory_space<hbm>>
    tpu.wait_dma2 semaphore(%arg19 : memref<!tpu.dma_semaphore, #tpu.memory_space<semaphore_mem>>) src(%dma_wait3A_100 : memref<512xi32, #tpu.memory_space<hbm>>) dst(%arg8 : memref<512xi32, #tpu.memory_space<vmem>>)
    %dma_wait3A_101 = tpu.memref_slice %arg4[%add3A_93] : memref<98304xi32, #tpu.memory_space<hbm>> -> memref<512xi32, #tpu.memory_space<hbm>>
    %dma_wait3A_102 = tpu.memref_slice %arg4[%add3A_93] : memref<98304xi32, #tpu.memory_space<hbm>> -> memref<512xi32, #tpu.memory_space<hbm>>
    tpu.wait_dma2 semaphore(%arg19 : memref<!tpu.dma_semaphore, #tpu.memory_space<semaphore_mem>>) src(%dma_wait3A_102 : memref<512xi32, #tpu.memory_space<hbm>>) dst(%arg9 : memref<512xi32, #tpu.memory_space<vmem>>)
    %mul3A_103 = arith.constant 262144 : i32
    %mul3A_104 = arith.muli %select_n3A_54, %mul3A_103 : i32
    %scan3A = arith.constant 0 : i32
    %scan3A_105 = arith.constant 0 : i32
    %scan3A_106 = arith.constant 32 : i32
    %scan3A_107 = arith.addi %scan3A_105, %scan3A_106 : i32
    %scan3A_108 = arith.constant 1 : i32
    scf.for %scan3A_293 = %scan3A_105 to %scan3A_107 step %scan3A_108  : i32 {
      %mul3A_294 = arith.constant 16 : i32
      %mul3A_295 = arith.muli %mul3A_294, %scan3A_293 : i32
      %get3A = arith.index_cast %mul3A_295 : i32 to index
      %get3A_296 = tpu.vector_load %arg6[%get3A] {strides = array<i32>} : memref<1024xi32, #tpu.memory_space<vmem>>, vector<16xi32>,
      %get3A_297 = vector.shape_cast %get3A_296 : vector<16xi32> to vector<16xi32>
      %mul3A_298 = arith.constant 512 : i32
      %mul3A_299 = vector.broadcast %mul3A_298 : i32 to vector<16xi32>
      %mul3A_300 = arith.muli %get3A_297, %mul3A_299 : vector<16xi32>
      %add3A_301 = arith.constant 512 : i32
      %add3A_302 = arith.addi %add3A_301, %mul3A_295 : i32
      %get3A_303 = arith.index_cast %add3A_302 : i32 to index
      %get3A_304 = tpu.vector_load %arg6[%get3A_303] {strides = array<i32>} : memref<1024xi32, #tpu.memory_space<vmem>>, vector<16xi32>,
      %get3A_305 = vector.shape_cast %get3A_304 : vector<16xi32> to vector<16xi32>
      %add3A_306 = arith.addi %mul3A_300, %get3A_305 : vector<16xi32>
      %add3A_307 = vector.broadcast %mul3A_104 : i32 to vector<16xi32>
      %add3A_308 = arith.addi %add3A_306, %add3A_307 : vector<16xi32>
      %swap3A_309 = arith.index_cast %mul3A_295 : i32 to index
      %swap3A_310 = tpu.vector_load %arg10[%swap3A_309] {strides = array<i32>} : memref<512xi32, #tpu.memory_space<vmem>>, vector<16xi32>,
      %swap3A_311 = vector.shape_cast %swap3A_310 : vector<16xi32> to vector<16xi32>
      %swap3A_312 = vector.shape_cast %add3A_308 : vector<16xi32> to vector<16xi32>
      tpu.vector_store %arg10[%swap3A_309], %swap3A_312 {strides = array<i32>} : memref<512xi32, #tpu.memory_space<vmem>>, vector<16xi32>,
      %get3A_313 = arith.index_cast %mul3A_295 : i32 to index
      %get3A_314 = tpu.vector_load %arg7[%get3A_313] {strides = array<i32>} : memref<1024xi32, #tpu.memory_space<vmem>>, vector<16xi32>,
      %get3A_315 = vector.shape_cast %get3A_314 : vector<16xi32> to vector<16xi32>
      %mul3A_316 = arith.constant 512 : i32
      %mul3A_317 = vector.broadcast %mul3A_316 : i32 to vector<16xi32>
      %mul3A_318 = arith.muli %get3A_315, %mul3A_317 : vector<16xi32>
      %add3A_319 = arith.constant 512 : i32
      %add3A_320 = arith.addi %add3A_319, %mul3A_295 : i32
      %get3A_321 = arith.index_cast %add3A_320 : i32 to index
      %get3A_322 = tpu.vector_load %arg7[%get3A_321] {strides = array<i32>} : memref<1024xi32, #tpu.memory_space<vmem>>, vector<16xi32>,
      %get3A_323 = vector.shape_cast %get3A_322 : vector<16xi32> to vector<16xi32>
      %add3A_324 = arith.addi %mul3A_318, %get3A_323 : vector<16xi32>
      %add3A_325 = vector.broadcast %mul3A_104 : i32 to vector<16xi32>
      %add3A_326 = arith.addi %add3A_324, %add3A_325 : vector<16xi32>
      %swap3A_327 = arith.index_cast %mul3A_295 : i32 to index
      %swap3A_328 = tpu.vector_load %arg11[%swap3A_327] {strides = array<i32>} : memref<512xi32, #tpu.memory_space<vmem>>, vector<16xi32>,
      %swap3A_329 = vector.shape_cast %swap3A_328 : vector<16xi32> to vector<16xi32>
      %swap3A_330 = vector.shape_cast %add3A_326 : vector<16xi32> to vector<16xi32>
      tpu.vector_store %arg11[%swap3A_327], %swap3A_330 {strides = array<i32>} : memref<512xi32, #tpu.memory_space<vmem>>, vector<16xi32>,
    }
    %scan3A_109 = arith.constant 32 : i32
    %scan3A_110 = arith.constant 0 : i32
    %scan3A_111 = arith.constant 0 : i32
    %scan3A_112 = arith.constant 16 : i32
    %scan3A_113 = arith.addi %scan3A_111, %scan3A_112 : i32
    %scan3A_114 = arith.constant 1 : i32
    scf.for %scan3A_293 = %scan3A_111 to %scan3A_113 step %scan3A_114  : i32 {
      %mul3A_294 = arith.constant 16 : i32
      %mul3A_295 = arith.muli %mul3A_294, %scan3A_293 : i32
      %get3A = arith.index_cast %mul3A_295 : i32 to index
      %get3A_296 = tpu.vector_load %arg8[%get3A] {strides = array<i32>} : memref<512xi32, #tpu.memory_space<vmem>>, vector<16xi32>,
      %get3A_297 = vector.shape_cast %get3A_296 : vector<16xi32> to vector<16xi32>
      %mul3A_298 = arith.constant 512 : i32
      %mul3A_299 = vector.broadcast %mul3A_298 : i32 to vector<16xi32>
      %mul3A_300 = arith.muli %get3A_297, %mul3A_299 : vector<16xi32>
      %add3A_301 = arith.constant 256 : i32
      %add3A_302 = arith.addi %add3A_301, %mul3A_295 : i32
      %get3A_303 = arith.index_cast %add3A_302 : i32 to index
      %get3A_304 = tpu.vector_load %arg8[%get3A_303] {strides = array<i32>} : memref<512xi32, #tpu.memory_space<vmem>>, vector<16xi32>,
      %get3A_305 = vector.shape_cast %get3A_304 : vector<16xi32> to vector<16xi32>
      %add3A_306 = arith.addi %mul3A_300, %get3A_305 : vector<16xi32>
      %add3A_307 = vector.broadcast %mul3A_104 : i32 to vector<16xi32>
      %add3A_308 = arith.addi %add3A_306, %add3A_307 : vector<16xi32>
      %swap3A_309 = arith.index_cast %mul3A_295 : i32 to index
      %swap3A_310 = tpu.vector_load %arg12[%swap3A_309] {strides = array<i32>} : memref<256xi32, #tpu.memory_space<vmem>>, vector<16xi32>,
      %swap3A_311 = vector.shape_cast %swap3A_310 : vector<16xi32> to vector<16xi32>
      %swap3A_312 = vector.shape_cast %add3A_308 : vector<16xi32> to vector<16xi32>
      tpu.vector_store %arg12[%swap3A_309], %swap3A_312 {strides = array<i32>} : memref<256xi32, #tpu.memory_space<vmem>>, vector<16xi32>,
      %get3A_313 = arith.index_cast %mul3A_295 : i32 to index
      %get3A_314 = tpu.vector_load %arg9[%get3A_313] {strides = array<i32>} : memref<512xi32, #tpu.memory_space<vmem>>, vector<16xi32>,
      %get3A_315 = vector.shape_cast %get3A_314 : vector<16xi32> to vector<16xi32>
      %mul3A_316 = arith.constant 512 : i32
      %mul3A_317 = vector.broadcast %mul3A_316 : i32 to vector<16xi32>
      %mul3A_318 = arith.muli %get3A_315, %mul3A_317 : vector<16xi32>
      %add3A_319 = arith.constant 256 : i32
      %add3A_320 = arith.addi %add3A_319, %mul3A_295 : i32
      %get3A_321 = arith.index_cast %add3A_320 : i32 to index
      %get3A_322 = tpu.vector_load %arg9[%get3A_321] {strides = array<i32>} : memref<512xi32, #tpu.memory_space<vmem>>, vector<16xi32>,
      %get3A_323 = vector.shape_cast %get3A_322 : vector<16xi32> to vector<16xi32>
      %add3A_324 = arith.addi %mul3A_318, %get3A_323 : vector<16xi32>
      %add3A_325 = vector.broadcast %mul3A_104 : i32 to vector<16xi32>
      %add3A_326 = arith.addi %add3A_324, %add3A_325 : vector<16xi32>
      %swap3A_327 = arith.index_cast %mul3A_295 : i32 to index
      %swap3A_328 = tpu.vector_load %arg13[%swap3A_327] {strides = array<i32>} : memref<256xi32, #tpu.memory_space<vmem>>, vector<16xi32>,
      %swap3A_329 = vector.shape_cast %swap3A_328 : vector<16xi32> to vector<16xi32>
      %swap3A_330 = vector.shape_cast %add3A_326 : vector<16xi32> to vector<16xi32>
      tpu.vector_store %arg13[%swap3A_327], %swap3A_330 {strides = array<i32>} : memref<256xi32, #tpu.memory_space<vmem>>, vector<16xi32>,
    }
    %scan3A_115 = arith.constant 16 : i32
    %dma_start3A_116 = arith.constant 0 : i32
    %dma_start3A_117 = tpu.memref_slice %arg14[%dma_start3A_116] : memref<512xf32, #tpu.memory_space<vmem>> -> memref<128xf32, #tpu.memory_space<vmem>>
    %dma_start3A_118 = arith.constant 0 : i32
    %dma_start3A_119 = tpu.memref_slice %arg10[%dma_start3A_118] : memref<512xi32, #tpu.memory_space<vmem>> -> memref<128xi32, #tpu.memory_space<vmem>>
    %dma_start3A_120 = arith.constant 0 : i32
    %dma_start3A_121 = tpu.memref_slice %arg2[%dma_start3A_120] : memref<1048576xf32, #tpu.memory_space<hbm>> -> memref<1048576xf32, #tpu.memory_space<hbm>>
    tpu.enqueue_indirect_dma source(%dma_start3A_121 : memref<1048576xf32, #tpu.memory_space<hbm>>) target(%dma_start3A_117 : memref<128xf32, #tpu.memory_space<vmem>>) offsets(%dma_start3A_119 : memref<128xi32, #tpu.memory_space<vmem>>) semaphore(%arg19 : memref<!tpu.dma_semaphore, #tpu.memory_space<semaphore_mem>>)
    %dma_start3A_122 = arith.constant 0 : i32
    %dma_start3A_123 = tpu.memref_slice %arg15[%dma_start3A_122] : memref<512xf32, #tpu.memory_space<vmem>> -> memref<128xf32, #tpu.memory_space<vmem>>
    %dma_start3A_124 = arith.constant 0 : i32
    %dma_start3A_125 = tpu.memref_slice %arg11[%dma_start3A_124] : memref<512xi32, #tpu.memory_space<vmem>> -> memref<128xi32, #tpu.memory_space<vmem>>
    %dma_start3A_126 = arith.constant 0 : i32
    %dma_start3A_127 = tpu.memref_slice %arg3[%dma_start3A_126] : memref<1048576xf32, #tpu.memory_space<hbm>> -> memref<1048576xf32, #tpu.memory_space<hbm>>
    tpu.enqueue_indirect_dma source(%dma_start3A_127 : memref<1048576xf32, #tpu.memory_space<hbm>>) target(%dma_start3A_123 : memref<128xf32, #tpu.memory_space<vmem>>) offsets(%dma_start3A_125 : memref<128xi32, #tpu.memory_space<vmem>>) semaphore(%arg19 : memref<!tpu.dma_semaphore, #tpu.memory_space<semaphore_mem>>)
    %dma_start3A_128 = arith.constant 128 : i32
    %dma_start3A_129 = tpu.memref_slice %arg14[%dma_start3A_128] : memref<512xf32, #tpu.memory_space<vmem>> -> memref<128xf32, #tpu.memory_space<vmem>>
    %dma_start3A_130 = arith.constant 128 : i32
    %dma_start3A_131 = tpu.memref_slice %arg10[%dma_start3A_130] : memref<512xi32, #tpu.memory_space<vmem>> -> memref<128xi32, #tpu.memory_space<vmem>>
    %dma_start3A_132 = arith.constant 0 : i32
    %dma_start3A_133 = tpu.memref_slice %arg2[%dma_start3A_132] : memref<1048576xf32, #tpu.memory_space<hbm>> -> memref<1048576xf32, #tpu.memory_space<hbm>>
    tpu.enqueue_indirect_dma source(%dma_start3A_133 : memref<1048576xf32, #tpu.memory_space<hbm>>) target(%dma_start3A_129 : memref<128xf32, #tpu.memory_space<vmem>>) offsets(%dma_start3A_131 : memref<128xi32, #tpu.memory_space<vmem>>) semaphore(%arg19 : memref<!tpu.dma_semaphore, #tpu.memory_space<semaphore_mem>>)
    %dma_start3A_134 = arith.constant 128 : i32
    %dma_start3A_135 = tpu.memref_slice %arg15[%dma_start3A_134] : memref<512xf32, #tpu.memory_space<vmem>> -> memref<128xf32, #tpu.memory_space<vmem>>
    %dma_start3A_136 = arith.constant 128 : i32
    %dma_start3A_137 = tpu.memref_slice %arg11[%dma_start3A_136] : memref<512xi32, #tpu.memory_space<vmem>> -> memref<128xi32, #tpu.memory_space<vmem>>
    %dma_start3A_138 = arith.constant 0 : i32
    %dma_start3A_139 = tpu.memref_slice %arg3[%dma_start3A_138] : memref<1048576xf32, #tpu.memory_space<hbm>> -> memref<1048576xf32, #tpu.memory_space<hbm>>
    tpu.enqueue_indirect_dma source(%dma_start3A_139 : memref<1048576xf32, #tpu.memory_space<hbm>>) target(%dma_start3A_135 : memref<128xf32, #tpu.memory_space<vmem>>) offsets(%dma_start3A_137 : memref<128xi32, #tpu.memory_space<vmem>>) semaphore(%arg19 : memref<!tpu.dma_semaphore, #tpu.memory_space<semaphore_mem>>)
    %dma_start3A_140 = arith.constant 256 : i32
    %dma_start3A_141 = tpu.memref_slice %arg14[%dma_start3A_140] : memref<512xf32, #tpu.memory_space<vmem>> -> memref<128xf32, #tpu.memory_space<vmem>>
    %dma_start3A_142 = arith.constant 256 : i32
    %dma_start3A_143 = tpu.memref_slice %arg10[%dma_start3A_142] : memref<512xi32, #tpu.memory_space<vmem>> -> memref<128xi32, #tpu.memory_space<vmem>>
    %dma_start3A_144 = arith.constant 0 : i32
    %dma_start3A_145 = tpu.memref_slice %arg2[%dma_start3A_144] : memref<1048576xf32, #tpu.memory_space<hbm>> -> memref<1048576xf32, #tpu.memory_space<hbm>>
    tpu.enqueue_indirect_dma source(%dma_start3A_145 : memref<1048576xf32, #tpu.memory_space<hbm>>) target(%dma_start3A_141 : memref<128xf32, #tpu.memory_space<vmem>>) offsets(%dma_start3A_143 : memref<128xi32, #tpu.memory_space<vmem>>) semaphore(%arg19 : memref<!tpu.dma_semaphore, #tpu.memory_space<semaphore_mem>>)
    %dma_start3A_146 = arith.constant 256 : i32
    %dma_start3A_147 = tpu.memref_slice %arg15[%dma_start3A_146] : memref<512xf32, #tpu.memory_space<vmem>> -> memref<128xf32, #tpu.memory_space<vmem>>
    %dma_start3A_148 = arith.constant 256 : i32
    %dma_start3A_149 = tpu.memref_slice %arg11[%dma_start3A_148] : memref<512xi32, #tpu.memory_space<vmem>> -> memref<128xi32, #tpu.memory_space<vmem>>
    %dma_start3A_150 = arith.constant 0 : i32
    %dma_start3A_151 = tpu.memref_slice %arg3[%dma_start3A_150] : memref<1048576xf32, #tpu.memory_space<hbm>> -> memref<1048576xf32, #tpu.memory_space<hbm>>
    tpu.enqueue_indirect_dma source(%dma_start3A_151 : memref<1048576xf32, #tpu.memory_space<hbm>>) target(%dma_start3A_147 : memref<128xf32, #tpu.memory_space<vmem>>) offsets(%dma_start3A_149 : memref<128xi32, #tpu.memory_space<vmem>>) semaphore(%arg19 : memref<!tpu.dma_semaphore, #tpu.memory_space<semaphore_mem>>)
    %dma_start3A_152 = arith.constant 384 : i32
    %dma_start3A_153 = tpu.memref_slice %arg14[%dma_start3A_152] : memref<512xf32, #tpu.memory_space<vmem>> -> memref<128xf32, #tpu.memory_space<vmem>>
    %dma_start3A_154 = arith.constant 384 : i32
    %dma_start3A_155 = tpu.memref_slice %arg10[%dma_start3A_154] : memref<512xi32, #tpu.memory_space<vmem>> -> memref<128xi32, #tpu.memory_space<vmem>>
    %dma_start3A_156 = arith.constant 0 : i32
    %dma_start3A_157 = tpu.memref_slice %arg2[%dma_start3A_156] : memref<1048576xf32, #tpu.memory_space<hbm>> -> memref<1048576xf32, #tpu.memory_space<hbm>>
    tpu.enqueue_indirect_dma source(%dma_start3A_157 : memref<1048576xf32, #tpu.memory_space<hbm>>) target(%dma_start3A_153 : memref<128xf32, #tpu.memory_space<vmem>>) offsets(%dma_start3A_155 : memref<128xi32, #tpu.memory_space<vmem>>) semaphore(%arg19 : memref<!tpu.dma_semaphore, #tpu.memory_space<semaphore_mem>>)
    %dma_start3A_158 = arith.constant 384 : i32
    %dma_start3A_159 = tpu.memref_slice %arg15[%dma_start3A_158] : memref<512xf32, #tpu.memory_space<vmem>> -> memref<128xf32, #tpu.memory_space<vmem>>
    %dma_start3A_160 = arith.constant 384 : i32
    %dma_start3A_161 = tpu.memref_slice %arg11[%dma_start3A_160] : memref<512xi32, #tpu.memory_space<vmem>> -> memref<128xi32, #tpu.memory_space<vmem>>
    %dma_start3A_162 = arith.constant 0 : i32
    %dma_start3A_163 = tpu.memref_slice %arg3[%dma_start3A_162] : memref<1048576xf32, #tpu.memory_space<hbm>> -> memref<1048576xf32, #tpu.memory_space<hbm>>
    tpu.enqueue_indirect_dma source(%dma_start3A_163 : memref<1048576xf32, #tpu.memory_space<hbm>>) target(%dma_start3A_159 : memref<128xf32, #tpu.memory_space<vmem>>) offsets(%dma_start3A_161 : memref<128xi32, #tpu.memory_space<vmem>>) semaphore(%arg19 : memref<!tpu.dma_semaphore, #tpu.memory_space<semaphore_mem>>)
    %eq3A_164 = arith.constant 0 : i32
    %eq3A_165 = arith.cmpi eq, %select_n3A_70, %eq3A_164 : i32
    %convert_element_type3A = arith.extui %eq3A_165 : i1 to i32
    %cond3A = arith.constant 0 : i32
    %cond3A_166 = arith.cmpi ne, %convert_element_type3A, %cond3A : i32
    scf.if %cond3A_166 {
      %dma_start3A_293 = arith.constant 0 : i32
      %dma_start3A_294 = tpu.memref_slice %arg16[%dma_start3A_293] : memref<256xf32, #tpu.memory_space<vmem>> -> memref<128xf32, #tpu.memory_space<vmem>>
      %dma_start3A_295 = arith.constant 0 : i32
      %dma_start3A_296 = tpu.memref_slice %arg12[%dma_start3A_295] : memref<256xi32, #tpu.memory_space<vmem>> -> memref<128xi32, #tpu.memory_space<vmem>>
      %dma_start3A_297 = arith.constant 0 : i32
      %dma_start3A_298 = tpu.memref_slice %arg2[%dma_start3A_297] : memref<1048576xf32, #tpu.memory_space<hbm>> -> memref<1048576xf32, #tpu.memory_space<hbm>>
      tpu.enqueue_indirect_dma source(%dma_start3A_298 : memref<1048576xf32, #tpu.memory_space<hbm>>) target(%dma_start3A_294 : memref<128xf32, #tpu.memory_space<vmem>>) offsets(%dma_start3A_296 : memref<128xi32, #tpu.memory_space<vmem>>) semaphore(%arg19 : memref<!tpu.dma_semaphore, #tpu.memory_space<semaphore_mem>>)
      %dma_start3A_299 = arith.constant 0 : i32
      %dma_start3A_300 = tpu.memref_slice %arg17[%dma_start3A_299] : memref<256xf32, #tpu.memory_space<vmem>> -> memref<128xf32, #tpu.memory_space<vmem>>
      %dma_start3A_301 = arith.constant 0 : i32
      %dma_start3A_302 = tpu.memref_slice %arg13[%dma_start3A_301] : memref<256xi32, #tpu.memory_space<vmem>> -> memref<128xi32, #tpu.memory_space<vmem>>
      %dma_start3A_303 = arith.constant 0 : i32
      %dma_start3A_304 = tpu.memref_slice %arg2[%dma_start3A_303] : memref<1048576xf32, #tpu.memory_space<hbm>> -> memref<1048576xf32, #tpu.memory_space<hbm>>
      tpu.enqueue_indirect_dma source(%dma_start3A_304 : memref<1048576xf32, #tpu.memory_space<hbm>>) target(%dma_start3A_300 : memref<128xf32, #tpu.memory_space<vmem>>) offsets(%dma_start3A_302 : memref<128xi32, #tpu.memory_space<vmem>>) semaphore(%arg19 : memref<!tpu.dma_semaphore, #tpu.memory_space<semaphore_mem>>)
      %dma_start3A_305 = arith.constant 128 : i32
      %dma_start3A_306 = tpu.memref_slice %arg16[%dma_start3A_305] : memref<256xf32, #tpu.memory_space<vmem>> -> memref<128xf32, #tpu.memory_space<vmem>>
      %dma_start3A_307 = arith.constant 128 : i32
      %dma_start3A_308 = tpu.memref_slice %arg12[%dma_start3A_307] : memref<256xi32, #tpu.memory_space<vmem>> -> memref<128xi32, #tpu.memory_space<vmem>>
      %dma_start3A_309 = arith.constant 0 : i32
      %dma_start3A_310 = tpu.memref_slice %arg2[%dma_start3A_309] : memref<1048576xf32, #tpu.memory_space<hbm>> -> memref<1048576xf32, #tpu.memory_space<hbm>>
      tpu.enqueue_indirect_dma source(%dma_start3A_310 : memref<1048576xf32, #tpu.memory_space<hbm>>) target(%dma_start3A_306 : memref<128xf32, #tpu.memory_space<vmem>>) offsets(%dma_start3A_308 : memref<128xi32, #tpu.memory_space<vmem>>) semaphore(%arg19 : memref<!tpu.dma_semaphore, #tpu.memory_space<semaphore_mem>>)
      %dma_start3A_311 = arith.constant 128 : i32
      %dma_start3A_312 = tpu.memref_slice %arg17[%dma_start3A_311] : memref<256xf32, #tpu.memory_space<vmem>> -> memref<128xf32, #tpu.memory_space<vmem>>
      %dma_start3A_313 = arith.constant 128 : i32
      %dma_start3A_314 = tpu.memref_slice %arg13[%dma_start3A_313] : memref<256xi32, #tpu.memory_space<vmem>> -> memref<128xi32, #tpu.memory_space<vmem>>
      %dma_start3A_315 = arith.constant 0 : i32
      %dma_start3A_316 = tpu.memref_slice %arg2[%dma_start3A_315] : memref<1048576xf32, #tpu.memory_space<hbm>> -> memref<1048576xf32, #tpu.memory_space<hbm>>
      tpu.enqueue_indirect_dma source(%dma_start3A_316 : memref<1048576xf32, #tpu.memory_space<hbm>>) target(%dma_start3A_312 : memref<128xf32, #tpu.memory_space<vmem>>) offsets(%dma_start3A_314 : memref<128xi32, #tpu.memory_space<vmem>>) semaphore(%arg19 : memref<!tpu.dma_semaphore, #tpu.memory_space<semaphore_mem>>)
      %dma_wait3A_317 = arith.constant 0 : i32
      %dma_wait3A_318 = tpu.memref_slice %arg16[%dma_wait3A_317] : memref<256xf32, #tpu.memory_space<vmem>> -> memref<128xf32, #tpu.memory_space<vmem>>
      %dma_wait3A_319 = arith.constant 0 : i32
      %dma_wait3A_320 = tpu.memref_slice %arg12[%dma_wait3A_319] : memref<256xi32, #tpu.memory_space<vmem>> -> memref<128xi32, #tpu.memory_space<vmem>>
      %dma_wait3A_321 = arith.constant 0 : i32
      %dma_wait3A_322 = tpu.memref_slice %arg2[%dma_wait3A_321] : memref<1048576xf32, #tpu.memory_space<hbm>> -> memref<1048576xf32, #tpu.memory_space<hbm>>
      tpu.wait_indirect_dma semaphore(%arg19 : memref<!tpu.dma_semaphore, #tpu.memory_space<semaphore_mem>>) src(%dma_wait3A_322 : memref<1048576xf32, #tpu.memory_space<hbm>>) dst(%dma_wait3A_318 : memref<128xf32, #tpu.memory_space<vmem>>)
      %dma_wait3A_323 = arith.constant 0 : i32
      %dma_wait3A_324 = tpu.memref_slice %arg17[%dma_wait3A_323] : memref<256xf32, #tpu.memory_space<vmem>> -> memref<128xf32, #tpu.memory_space<vmem>>
      %dma_wait3A_325 = arith.constant 0 : i32
      %dma_wait3A_326 = tpu.memref_slice %arg13[%dma_wait3A_325] : memref<256xi32, #tpu.memory_space<vmem>> -> memref<128xi32, #tpu.memory_space<vmem>>
      %dma_wait3A_327 = arith.constant 0 : i32
      %dma_wait3A_328 = tpu.memref_slice %arg2[%dma_wait3A_327] : memref<1048576xf32, #tpu.memory_space<hbm>> -> memref<1048576xf32, #tpu.memory_space<hbm>>
      tpu.wait_indirect_dma semaphore(%arg19 : memref<!tpu.dma_semaphore, #tpu.memory_space<semaphore_mem>>) src(%dma_wait3A_328 : memref<1048576xf32, #tpu.memory_space<hbm>>) dst(%dma_wait3A_324 : memref<128xf32, #tpu.memory_space<vmem>>)
      %dma_wait3A_329 = arith.constant 128 : i32
      %dma_wait3A_330 = tpu.memref_slice %arg16[%dma_wait3A_329] : memref<256xf32, #tpu.memory_space<vmem>> -> memref<128xf32, #tpu.memory_space<vmem>>
      %dma_wait3A_331 = arith.constant 128 : i32
      %dma_wait3A_332 = tpu.memref_slice %arg12[%dma_wait3A_331] : memref<256xi32, #tpu.memory_space<vmem>> -> memref<128xi32, #tpu.memory_space<vmem>>
      %dma_wait3A_333 = arith.constant 0 : i32
      %dma_wait3A_334 = tpu.memref_slice %arg2[%dma_wait3A_333] : memref<1048576xf32, #tpu.memory_space<hbm>> -> memref<1048576xf32, #tpu.memory_space<hbm>>
      tpu.wait_indirect_dma semaphore(%arg19 : memref<!tpu.dma_semaphore, #tpu.memory_space<semaphore_mem>>) src(%dma_wait3A_334 : memref<1048576xf32, #tpu.memory_space<hbm>>) dst(%dma_wait3A_330 : memref<128xf32, #tpu.memory_space<vmem>>)
      %dma_wait3A_335 = arith.constant 128 : i32
      %dma_wait3A_336 = tpu.memref_slice %arg17[%dma_wait3A_335] : memref<256xf32, #tpu.memory_space<vmem>> -> memref<128xf32, #tpu.memory_space<vmem>>
      %dma_wait3A_337 = arith.constant 128 : i32
      %dma_wait3A_338 = tpu.memref_slice %arg13[%dma_wait3A_337] : memref<256xi32, #tpu.memory_space<vmem>> -> memref<128xi32, #tpu.memory_space<vmem>>
      %dma_wait3A_339 = arith.constant 0 : i32
      %dma_wait3A_340 = tpu.memref_slice %arg2[%dma_wait3A_339] : memref<1048576xf32, #tpu.memory_space<hbm>> -> memref<1048576xf32, #tpu.memory_space<hbm>>
      tpu.wait_indirect_dma semaphore(%arg19 : memref<!tpu.dma_semaphore, #tpu.memory_space<semaphore_mem>>) src(%dma_wait3A_340 : memref<1048576xf32, #tpu.memory_space<hbm>>) dst(%dma_wait3A_336 : memref<128xf32, #tpu.memory_space<vmem>>)
    } else {
    }
    %eq3A_167 = arith.constant 1 : i32
    %eq3A_168 = arith.cmpi eq, %select_n3A_70, %eq3A_167 : i32
    %convert_element_type3A_169 = arith.extui %eq3A_168 : i1 to i32
    %cond3A_170 = arith.constant 0 : i32
    %cond3A_171 = arith.cmpi ne, %convert_element_type3A_169, %cond3A_170 : i32
    scf.if %cond3A_171 {
      %dma_start3A_293 = arith.constant 0 : i32
      %dma_start3A_294 = tpu.memref_slice %arg16[%dma_start3A_293] : memref<256xf32, #tpu.memory_space<vmem>> -> memref<128xf32, #tpu.memory_space<vmem>>
      %dma_start3A_295 = arith.constant 0 : i32
      %dma_start3A_296 = tpu.memref_slice %arg12[%dma_start3A_295] : memref<256xi32, #tpu.memory_space<vmem>> -> memref<128xi32, #tpu.memory_space<vmem>>
      %dma_start3A_297 = arith.constant 0 : i32
      %dma_start3A_298 = tpu.memref_slice %arg3[%dma_start3A_297] : memref<1048576xf32, #tpu.memory_space<hbm>> -> memref<1048576xf32, #tpu.memory_space<hbm>>
      tpu.enqueue_indirect_dma source(%dma_start3A_298 : memref<1048576xf32, #tpu.memory_space<hbm>>) target(%dma_start3A_294 : memref<128xf32, #tpu.memory_space<vmem>>) offsets(%dma_start3A_296 : memref<128xi32, #tpu.memory_space<vmem>>) semaphore(%arg19 : memref<!tpu.dma_semaphore, #tpu.memory_space<semaphore_mem>>)
      %dma_start3A_299 = arith.constant 0 : i32
      %dma_start3A_300 = tpu.memref_slice %arg17[%dma_start3A_299] : memref<256xf32, #tpu.memory_space<vmem>> -> memref<128xf32, #tpu.memory_space<vmem>>
      %dma_start3A_301 = arith.constant 0 : i32
      %dma_start3A_302 = tpu.memref_slice %arg13[%dma_start3A_301] : memref<256xi32, #tpu.memory_space<vmem>> -> memref<128xi32, #tpu.memory_space<vmem>>
      %dma_start3A_303 = arith.constant 0 : i32
      %dma_start3A_304 = tpu.memref_slice %arg3[%dma_start3A_303] : memref<1048576xf32, #tpu.memory_space<hbm>> -> memref<1048576xf32, #tpu.memory_space<hbm>>
      tpu.enqueue_indirect_dma source(%dma_start3A_304 : memref<1048576xf32, #tpu.memory_space<hbm>>) target(%dma_start3A_300 : memref<128xf32, #tpu.memory_space<vmem>>) offsets(%dma_start3A_302 : memref<128xi32, #tpu.memory_space<vmem>>) semaphore(%arg19 : memref<!tpu.dma_semaphore, #tpu.memory_space<semaphore_mem>>)
      %dma_start3A_305 = arith.constant 128 : i32
      %dma_start3A_306 = tpu.memref_slice %arg16[%dma_start3A_305] : memref<256xf32, #tpu.memory_space<vmem>> -> memref<128xf32, #tpu.memory_space<vmem>>
      %dma_start3A_307 = arith.constant 128 : i32
      %dma_start3A_308 = tpu.memref_slice %arg12[%dma_start3A_307] : memref<256xi32, #tpu.memory_space<vmem>> -> memref<128xi32, #tpu.memory_space<vmem>>
      %dma_start3A_309 = arith.constant 0 : i32
      %dma_start3A_310 = tpu.memref_slice %arg3[%dma_start3A_309] : memref<1048576xf32, #tpu.memory_space<hbm>> -> memref<1048576xf32, #tpu.memory_space<hbm>>
      tpu.enqueue_indirect_dma source(%dma_start3A_310 : memref<1048576xf32, #tpu.memory_space<hbm>>) target(%dma_start3A_306 : memref<128xf32, #tpu.memory_space<vmem>>) offsets(%dma_start3A_308 : memref<128xi32, #tpu.memory_space<vmem>>) semaphore(%arg19 : memref<!tpu.dma_semaphore, #tpu.memory_space<semaphore_mem>>)
      %dma_start3A_311 = arith.constant 128 : i32
      %dma_start3A_312 = tpu.memref_slice %arg17[%dma_start3A_311] : memref<256xf32, #tpu.memory_space<vmem>> -> memref<128xf32, #tpu.memory_space<vmem>>
      %dma_start3A_313 = arith.constant 128 : i32
      %dma_start3A_314 = tpu.memref_slice %arg13[%dma_start3A_313] : memref<256xi32, #tpu.memory_space<vmem>> -> memref<128xi32, #tpu.memory_space<vmem>>
      %dma_start3A_315 = arith.constant 0 : i32
      %dma_start3A_316 = tpu.memref_slice %arg3[%dma_start3A_315] : memref<1048576xf32, #tpu.memory_space<hbm>> -> memref<1048576xf32, #tpu.memory_space<hbm>>
      tpu.enqueue_indirect_dma source(%dma_start3A_316 : memref<1048576xf32, #tpu.memory_space<hbm>>) target(%dma_start3A_312 : memref<128xf32, #tpu.memory_space<vmem>>) offsets(%dma_start3A_314 : memref<128xi32, #tpu.memory_space<vmem>>) semaphore(%arg19 : memref<!tpu.dma_semaphore, #tpu.memory_space<semaphore_mem>>)
      %dma_wait3A_317 = arith.constant 0 : i32
      %dma_wait3A_318 = tpu.memref_slice %arg16[%dma_wait3A_317] : memref<256xf32, #tpu.memory_space<vmem>> -> memref<128xf32, #tpu.memory_space<vmem>>
      %dma_wait3A_319 = arith.constant 0 : i32
      %dma_wait3A_320 = tpu.memref_slice %arg12[%dma_wait3A_319] : memref<256xi32, #tpu.memory_space<vmem>> -> memref<128xi32, #tpu.memory_space<vmem>>
      %dma_wait3A_321 = arith.constant 0 : i32
      %dma_wait3A_322 = tpu.memref_slice %arg3[%dma_wait3A_321] : memref<1048576xf32, #tpu.memory_space<hbm>> -> memref<1048576xf32, #tpu.memory_space<hbm>>
      tpu.wait_indirect_dma semaphore(%arg19 : memref<!tpu.dma_semaphore, #tpu.memory_space<semaphore_mem>>) src(%dma_wait3A_322 : memref<1048576xf32, #tpu.memory_space<hbm>>) dst(%dma_wait3A_318 : memref<128xf32, #tpu.memory_space<vmem>>)
      %dma_wait3A_323 = arith.constant 0 : i32
      %dma_wait3A_324 = tpu.memref_slice %arg17[%dma_wait3A_323] : memref<256xf32, #tpu.memory_space<vmem>> -> memref<128xf32, #tpu.memory_space<vmem>>
      %dma_wait3A_325 = arith.constant 0 : i32
      %dma_wait3A_326 = tpu.memref_slice %arg13[%dma_wait3A_325] : memref<256xi32, #tpu.memory_space<vmem>> -> memref<128xi32, #tpu.memory_space<vmem>>
      %dma_wait3A_327 = arith.constant 0 : i32
      %dma_wait3A_328 = tpu.memref_slice %arg3[%dma_wait3A_327] : memref<1048576xf32, #tpu.memory_space<hbm>> -> memref<1048576xf32, #tpu.memory_space<hbm>>
      tpu.wait_indirect_dma semaphore(%arg19 : memref<!tpu.dma_semaphore, #tpu.memory_space<semaphore_mem>>) src(%dma_wait3A_328 : memref<1048576xf32, #tpu.memory_space<hbm>>) dst(%dma_wait3A_324 : memref<128xf32, #tpu.memory_space<vmem>>)
      %dma_wait3A_329 = arith.constant 128 : i32
      %dma_wait3A_330 = tpu.memref_slice %arg16[%dma_wait3A_329] : memref<256xf32, #tpu.memory_space<vmem>> -> memref<128xf32, #tpu.memory_space<vmem>>
      %dma_wait3A_331 = arith.constant 128 : i32
      %dma_wait3A_332 = tpu.memref_slice %arg12[%dma_wait3A_331] : memref<256xi32, #tpu.memory_space<vmem>> -> memref<128xi32, #tpu.memory_space<vmem>>
      %dma_wait3A_333 = arith.constant 0 : i32
      %dma_wait3A_334 = tpu.memref_slice %arg3[%dma_wait3A_333] : memref<1048576xf32, #tpu.memory_space<hbm>> -> memref<1048576xf32, #tpu.memory_space<hbm>>
      tpu.wait_indirect_dma semaphore(%arg19 : memref<!tpu.dma_semaphore, #tpu.memory_space<semaphore_mem>>) src(%dma_wait3A_334 : memref<1048576xf32, #tpu.memory_space<hbm>>) dst(%dma_wait3A_330 : memref<128xf32, #tpu.memory_space<vmem>>)
      %dma_wait3A_335 = arith.constant 128 : i32
      %dma_wait3A_336 = tpu.memref_slice %arg17[%dma_wait3A_335] : memref<256xf32, #tpu.memory_space<vmem>> -> memref<128xf32, #tpu.memory_space<vmem>>
      %dma_wait3A_337 = arith.constant 128 : i32
      %dma_wait3A_338 = tpu.memref_slice %arg13[%dma_wait3A_337] : memref<256xi32, #tpu.memory_space<vmem>> -> memref<128xi32, #tpu.memory_space<vmem>>
      %dma_wait3A_339 = arith.constant 0 : i32
      %dma_wait3A_340 = tpu.memref_slice %arg3[%dma_wait3A_339] : memref<1048576xf32, #tpu.memory_space<hbm>> -> memref<1048576xf32, #tpu.memory_space<hbm>>
      tpu.wait_indirect_dma semaphore(%arg19 : memref<!tpu.dma_semaphore, #tpu.memory_space<semaphore_mem>>) src(%dma_wait3A_340 : memref<1048576xf32, #tpu.memory_space<hbm>>) dst(%dma_wait3A_336 : memref<128xf32, #tpu.memory_space<vmem>>)
    } else {
    }
    %dma_wait3A_172 = arith.constant 0 : i32
    %dma_wait3A_173 = tpu.memref_slice %arg14[%dma_wait3A_172] : memref<512xf32, #tpu.memory_space<vmem>> -> memref<128xf32, #tpu.memory_space<vmem>>
    %dma_wait3A_174 = arith.constant 0 : i32
    %dma_wait3A_175 = tpu.memref_slice %arg10[%dma_wait3A_174] : memref<512xi32, #tpu.memory_space<vmem>> -> memref<128xi32, #tpu.memory_space<vmem>>
    %dma_wait3A_176 = arith.constant 0 : i32
    %dma_wait3A_177 = tpu.memref_slice %arg2[%dma_wait3A_176] : memref<1048576xf32, #tpu.memory_space<hbm>> -> memref<1048576xf32, #tpu.memory_space<hbm>>
    tpu.wait_indirect_dma semaphore(%arg19 : memref<!tpu.dma_semaphore, #tpu.memory_space<semaphore_mem>>) src(%dma_wait3A_177 : memref<1048576xf32, #tpu.memory_space<hbm>>) dst(%dma_wait3A_173 : memref<128xf32, #tpu.memory_space<vmem>>)
    %dma_wait3A_178 = arith.constant 0 : i32
    %dma_wait3A_179 = tpu.memref_slice %arg15[%dma_wait3A_178] : memref<512xf32, #tpu.memory_space<vmem>> -> memref<128xf32, #tpu.memory_space<vmem>>
    %dma_wait3A_180 = arith.constant 0 : i32
    %dma_wait3A_181 = tpu.memref_slice %arg11[%dma_wait3A_180] : memref<512xi32, #tpu.memory_space<vmem>> -> memref<128xi32, #tpu.memory_space<vmem>>
    %dma_wait3A_182 = arith.constant 0 : i32
    %dma_wait3A_183 = tpu.memref_slice %arg3[%dma_wait3A_182] : memref<1048576xf32, #tpu.memory_space<hbm>> -> memref<1048576xf32, #tpu.memory_space<hbm>>
    tpu.wait_indirect_dma semaphore(%arg19 : memref<!tpu.dma_semaphore, #tpu.memory_space<semaphore_mem>>) src(%dma_wait3A_183 : memref<1048576xf32, #tpu.memory_space<hbm>>) dst(%dma_wait3A_179 : memref<128xf32, #tpu.memory_space<vmem>>)
    %dma_wait3A_184 = arith.constant 128 : i32
    %dma_wait3A_185 = tpu.memref_slice %arg14[%dma_wait3A_184] : memref<512xf32, #tpu.memory_space<vmem>> -> memref<128xf32, #tpu.memory_space<vmem>>
    %dma_wait3A_186 = arith.constant 128 : i32
    %dma_wait3A_187 = tpu.memref_slice %arg10[%dma_wait3A_186] : memref<512xi32, #tpu.memory_space<vmem>> -> memref<128xi32, #tpu.memory_space<vmem>>
    %dma_wait3A_188 = arith.constant 0 : i32
    %dma_wait3A_189 = tpu.memref_slice %arg2[%dma_wait3A_188] : memref<1048576xf32, #tpu.memory_space<hbm>> -> memref<1048576xf32, #tpu.memory_space<hbm>>
    tpu.wait_indirect_dma semaphore(%arg19 : memref<!tpu.dma_semaphore, #tpu.memory_space<semaphore_mem>>) src(%dma_wait3A_189 : memref<1048576xf32, #tpu.memory_space<hbm>>) dst(%dma_wait3A_185 : memref<128xf32, #tpu.memory_space<vmem>>)
    %dma_wait3A_190 = arith.constant 128 : i32
    %dma_wait3A_191 = tpu.memref_slice %arg15[%dma_wait3A_190] : memref<512xf32, #tpu.memory_space<vmem>> -> memref<128xf32, #tpu.memory_space<vmem>>
    %dma_wait3A_192 = arith.constant 128 : i32
    %dma_wait3A_193 = tpu.memref_slice %arg11[%dma_wait3A_192] : memref<512xi32, #tpu.memory_space<vmem>> -> memref<128xi32, #tpu.memory_space<vmem>>
    %dma_wait3A_194 = arith.constant 0 : i32
    %dma_wait3A_195 = tpu.memref_slice %arg3[%dma_wait3A_194] : memref<1048576xf32, #tpu.memory_space<hbm>> -> memref<1048576xf32, #tpu.memory_space<hbm>>
    tpu.wait_indirect_dma semaphore(%arg19 : memref<!tpu.dma_semaphore, #tpu.memory_space<semaphore_mem>>) src(%dma_wait3A_195 : memref<1048576xf32, #tpu.memory_space<hbm>>) dst(%dma_wait3A_191 : memref<128xf32, #tpu.memory_space<vmem>>)
    %dma_wait3A_196 = arith.constant 256 : i32
    %dma_wait3A_197 = tpu.memref_slice %arg14[%dma_wait3A_196] : memref<512xf32, #tpu.memory_space<vmem>> -> memref<128xf32, #tpu.memory_space<vmem>>
    %dma_wait3A_198 = arith.constant 256 : i32
    %dma_wait3A_199 = tpu.memref_slice %arg10[%dma_wait3A_198] : memref<512xi32, #tpu.memory_space<vmem>> -> memref<128xi32, #tpu.memory_space<vmem>>
    %dma_wait3A_200 = arith.constant 0 : i32
    %dma_wait3A_201 = tpu.memref_slice %arg2[%dma_wait3A_200] : memref<1048576xf32, #tpu.memory_space<hbm>> -> memref<1048576xf32, #tpu.memory_space<hbm>>
    tpu.wait_indirect_dma semaphore(%arg19 : memref<!tpu.dma_semaphore, #tpu.memory_space<semaphore_mem>>) src(%dma_wait3A_201 : memref<1048576xf32, #tpu.memory_space<hbm>>) dst(%dma_wait3A_197 : memref<128xf32, #tpu.memory_space<vmem>>)
    %dma_wait3A_202 = arith.constant 256 : i32
    %dma_wait3A_203 = tpu.memref_slice %arg15[%dma_wait3A_202] : memref<512xf32, #tpu.memory_space<vmem>> -> memref<128xf32, #tpu.memory_space<vmem>>
    %dma_wait3A_204 = arith.constant 256 : i32
    %dma_wait3A_205 = tpu.memref_slice %arg11[%dma_wait3A_204] : memref<512xi32, #tpu.memory_space<vmem>> -> memref<128xi32, #tpu.memory_space<vmem>>
    %dma_wait3A_206 = arith.constant 0 : i32
    %dma_wait3A_207 = tpu.memref_slice %arg3[%dma_wait3A_206] : memref<1048576xf32, #tpu.memory_space<hbm>> -> memref<1048576xf32, #tpu.memory_space<hbm>>
    tpu.wait_indirect_dma semaphore(%arg19 : memref<!tpu.dma_semaphore, #tpu.memory_space<semaphore_mem>>) src(%dma_wait3A_207 : memref<1048576xf32, #tpu.memory_space<hbm>>) dst(%dma_wait3A_203 : memref<128xf32, #tpu.memory_space<vmem>>)
    %dma_wait3A_208 = arith.constant 384 : i32
    %dma_wait3A_209 = tpu.memref_slice %arg14[%dma_wait3A_208] : memref<512xf32, #tpu.memory_space<vmem>> -> memref<128xf32, #tpu.memory_space<vmem>>
    %dma_wait3A_210 = arith.constant 384 : i32
    %dma_wait3A_211 = tpu.memref_slice %arg10[%dma_wait3A_210] : memref<512xi32, #tpu.memory_space<vmem>> -> memref<128xi32, #tpu.memory_space<vmem>>
    %dma_wait3A_212 = arith.constant 0 : i32
    %dma_wait3A_213 = tpu.memref_slice %arg2[%dma_wait3A_212] : memref<1048576xf32, #tpu.memory_space<hbm>> -> memref<1048576xf32, #tpu.memory_space<hbm>>
    tpu.wait_indirect_dma semaphore(%arg19 : memref<!tpu.dma_semaphore, #tpu.memory_space<semaphore_mem>>) src(%dma_wait3A_213 : memref<1048576xf32, #tpu.memory_space<hbm>>) dst(%dma_wait3A_209 : memref<128xf32, #tpu.memory_space<vmem>>)
    %dma_wait3A_214 = arith.constant 384 : i32
    %dma_wait3A_215 = tpu.memref_slice %arg15[%dma_wait3A_214] : memref<512xf32, #tpu.memory_space<vmem>> -> memref<128xf32, #tpu.memory_space<vmem>>
    %dma_wait3A_216 = arith.constant 384 : i32
    %dma_wait3A_217 = tpu.memref_slice %arg11[%dma_wait3A_216] : memref<512xi32, #tpu.memory_space<vmem>> -> memref<128xi32, #tpu.memory_space<vmem>>
    %dma_wait3A_218 = arith.constant 0 : i32
    %dma_wait3A_219 = tpu.memref_slice %arg3[%dma_wait3A_218] : memref<1048576xf32, #tpu.memory_space<hbm>> -> memref<1048576xf32, #tpu.memory_space<hbm>>
    tpu.wait_indirect_dma semaphore(%arg19 : memref<!tpu.dma_semaphore, #tpu.memory_space<semaphore_mem>>) src(%dma_wait3A_219 : memref<1048576xf32, #tpu.memory_space<hbm>>) dst(%dma_wait3A_215 : memref<128xf32, #tpu.memory_space<vmem>>)
    %broadcast_in_dim3A = arith.constant 0.000000e+00 : f32
    %broadcast_in_dim3A_220 = vector.broadcast %broadcast_in_dim3A : f32 to vector<16xf32>
    %scan3A_221 = arith.constant 0 : i32
    %scan3A_222 = arith.constant 32 : i32
    %scan3A_223 = arith.addi %scan3A_221, %scan3A_222 : i32
    %scan3A_224 = arith.constant 1 : i32
    %scan3A_225 = scf.for %scan3A_293 = %scan3A_221 to %scan3A_223 step %scan3A_224 iter_args(%scan3A_294 = %broadcast_in_dim3A_220) -> (vector<16xf32>)  : i32 {
      %mul3A_295 = arith.constant 16 : i32
      %mul3A_296 = arith.muli %mul3A_295, %scan3A_293 : i32
      %get3A = arith.index_cast %mul3A_296 : i32 to index
      %get3A_297 = tpu.vector_load %arg14[%get3A] {strides = array<i32>} : memref<512xf32, #tpu.memory_space<vmem>>, vector<16xf32>,
      %get3A_298 = vector.shape_cast %get3A_297 : vector<16xf32> to vector<16xf32>
      %get3A_299 = arith.index_cast %mul3A_296 : i32 to index
      %get3A_300 = tpu.vector_load %arg15[%get3A_299] {strides = array<i32>} : memref<512xf32, #tpu.memory_space<vmem>>, vector<16xf32>,
      %get3A_301 = vector.shape_cast %get3A_300 : vector<16xf32> to vector<16xf32>
      %sub3A_302 = arith.subf %get3A_298, %get3A_301 : vector<16xf32>
      %mul3A_303 = arith.mulf %sub3A_302, %sub3A_302 : vector<16xf32>
      %add3A_304 = arith.addf %scan3A_294, %mul3A_303 : vector<16xf32>
      scf.yield %add3A_304 : vector<16xf32>
    }
    %scan3A_226 = arith.constant 32 : i32
    %broadcast_in_dim3A_227 = arith.constant 0.000000e+00 : f32
    %broadcast_in_dim3A_228 = vector.broadcast %broadcast_in_dim3A_227 : f32 to vector<16xf32>
    %scan3A_229 = arith.constant 0 : i32
    %scan3A_230 = arith.constant 16 : i32
    %scan3A_231 = arith.addi %scan3A_229, %scan3A_230 : i32
    %scan3A_232 = arith.constant 1 : i32
    %scan3A_233 = scf.for %scan3A_293 = %scan3A_229 to %scan3A_231 step %scan3A_232 iter_args(%scan3A_294 = %broadcast_in_dim3A_228) -> (vector<16xf32>)  : i32 {
      %mul3A_295 = arith.constant 16 : i32
      %mul3A_296 = arith.muli %mul3A_295, %scan3A_293 : i32
      %get3A = arith.index_cast %mul3A_296 : i32 to index
      %get3A_297 = tpu.vector_load %arg16[%get3A] {strides = array<i32>} : memref<256xf32, #tpu.memory_space<vmem>>, vector<16xf32>,
      %get3A_298 = vector.shape_cast %get3A_297 : vector<16xf32> to vector<16xf32>
      %get3A_299 = arith.index_cast %mul3A_296 : i32 to index
      %get3A_300 = tpu.vector_load %arg17[%get3A_299] {strides = array<i32>} : memref<256xf32, #tpu.memory_space<vmem>>, vector<16xf32>,
      %get3A_301 = vector.shape_cast %get3A_300 : vector<16xf32> to vector<16xf32>
      %sub3A_302 = arith.subf %get3A_298, %get3A_301 : vector<16xf32>
      %mul3A_303 = arith.mulf %sub3A_302, %sub3A_302 : vector<16xf32>
      %add3A_304 = arith.addf %scan3A_294, %mul3A_303 : vector<16xf32>
      scf.yield %add3A_304 : vector<16xf32>
    }
    %scan3A_234 = arith.constant 16 : i32
    %mul3A_235 = arith.constant 2.000000e+00 : f32
    %mul3A_236 = vector.broadcast %mul3A_235 : f32 to vector<16xf32>
    %mul3A_237 = arith.mulf %scan3A_225, %mul3A_236 : vector<16xf32>
    %add3A_238 = arith.addf %mul3A_237, %scan3A_233 : vector<16xf32>
    %mul3A_239 = arith.constant 2.500000e-01 : f32
    %mul3A_240 = vector.broadcast %mul3A_239 : f32 to vector<16xf32>
    %mul3A_241 = arith.mulf %add3A_238, %mul3A_240 : vector<16xf32>
    %slice3A = vector.extract_strided_slice %mul3A_241 {offsets = [0], sizes = [1], strides = [1]} : vector<16xf32> to vector<1xf32>
    %squeeze3A = vector.extract %slice3A[0] : f32 from vector<1xf32>
    %add3A_242 = arith.constant 0.000000e+00 : f32
    %add3A_243 = arith.addf %add3A_242, %squeeze3A : f32
    %slice3A_244 = vector.extract_strided_slice %mul3A_241 {offsets = [1], sizes = [1], strides = [1]} : vector<16xf32> to vector<1xf32>
    %squeeze3A_245 = vector.extract %slice3A_244[0] : f32 from vector<1xf32>
    %add3A_246 = arith.addf %add3A_243, %squeeze3A_245 : f32
    %slice3A_247 = vector.extract_strided_slice %mul3A_241 {offsets = [2], sizes = [1], strides = [1]} : vector<16xf32> to vector<1xf32>
    %squeeze3A_248 = vector.extract %slice3A_247[0] : f32 from vector<1xf32>
    %add3A_249 = arith.addf %add3A_246, %squeeze3A_248 : f32
    %slice3A_250 = vector.extract_strided_slice %mul3A_241 {offsets = [3], sizes = [1], strides = [1]} : vector<16xf32> to vector<1xf32>
    %squeeze3A_251 = vector.extract %slice3A_250[0] : f32 from vector<1xf32>
    %add3A_252 = arith.addf %add3A_249, %squeeze3A_251 : f32
    %slice3A_253 = vector.extract_strided_slice %mul3A_241 {offsets = [4], sizes = [1], strides = [1]} : vector<16xf32> to vector<1xf32>
    %squeeze3A_254 = vector.extract %slice3A_253[0] : f32 from vector<1xf32>
    %add3A_255 = arith.addf %add3A_252, %squeeze3A_254 : f32
    %slice3A_256 = vector.extract_strided_slice %mul3A_241 {offsets = [5], sizes = [1], strides = [1]} : vector<16xf32> to vector<1xf32>
    %squeeze3A_257 = vector.extract %slice3A_256[0] : f32 from vector<1xf32>
    %add3A_258 = arith.addf %add3A_255, %squeeze3A_257 : f32
    %slice3A_259 = vector.extract_strided_slice %mul3A_241 {offsets = [6], sizes = [1], strides = [1]} : vector<16xf32> to vector<1xf32>
    %squeeze3A_260 = vector.extract %slice3A_259[0] : f32 from vector<1xf32>
    %add3A_261 = arith.addf %add3A_258, %squeeze3A_260 : f32
    %slice3A_262 = vector.extract_strided_slice %mul3A_241 {offsets = [7], sizes = [1], strides = [1]} : vector<16xf32> to vector<1xf32>
    %squeeze3A_263 = vector.extract %slice3A_262[0] : f32 from vector<1xf32>
    %add3A_264 = arith.addf %add3A_261, %squeeze3A_263 : f32
    %slice3A_265 = vector.extract_strided_slice %mul3A_241 {offsets = [8], sizes = [1], strides = [1]} : vector<16xf32> to vector<1xf32>
    %squeeze3A_266 = vector.extract %slice3A_265[0] : f32 from vector<1xf32>
    %add3A_267 = arith.addf %add3A_264, %squeeze3A_266 : f32
    %slice3A_268 = vector.extract_strided_slice %mul3A_241 {offsets = [9], sizes = [1], strides = [1]} : vector<16xf32> to vector<1xf32>
    %squeeze3A_269 = vector.extract %slice3A_268[0] : f32 from vector<1xf32>
    %add3A_270 = arith.addf %add3A_267, %squeeze3A_269 : f32
    %slice3A_271 = vector.extract_strided_slice %mul3A_241 {offsets = [10], sizes = [1], strides = [1]} : vector<16xf32> to vector<1xf32>
    %squeeze3A_272 = vector.extract %slice3A_271[0] : f32 from vector<1xf32>
    %add3A_273 = arith.addf %add3A_270, %squeeze3A_272 : f32
    %slice3A_274 = vector.extract_strided_slice %mul3A_241 {offsets = [11], sizes = [1], strides = [1]} : vector<16xf32> to vector<1xf32>
    %squeeze3A_275 = vector.extract %slice3A_274[0] : f32 from vector<1xf32>
    %add3A_276 = arith.addf %add3A_273, %squeeze3A_275 : f32
    %slice3A_277 = vector.extract_strided_slice %mul3A_241 {offsets = [12], sizes = [1], strides = [1]} : vector<16xf32> to vector<1xf32>
    %squeeze3A_278 = vector.extract %slice3A_277[0] : f32 from vector<1xf32>
    %add3A_279 = arith.addf %add3A_276, %squeeze3A_278 : f32
    %slice3A_280 = vector.extract_strided_slice %mul3A_241 {offsets = [13], sizes = [1], strides = [1]} : vector<16xf32> to vector<1xf32>
    %squeeze3A_281 = vector.extract %slice3A_280[0] : f32 from vector<1xf32>
    %add3A_282 = arith.addf %add3A_279, %squeeze3A_281 : f32
    %slice3A_283 = vector.extract_strided_slice %mul3A_241 {offsets = [14], sizes = [1], strides = [1]} : vector<16xf32> to vector<1xf32>
    %squeeze3A_284 = vector.extract %slice3A_283[0] : f32 from vector<1xf32>
    %add3A_285 = arith.addf %add3A_282, %squeeze3A_284 : f32
    %slice3A_286 = vector.extract_strided_slice %mul3A_241 {offsets = [15], sizes = [1], strides = [1]} : vector<16xf32> to vector<1xf32>
    %squeeze3A_287 = vector.extract %slice3A_286[0] : f32 from vector<1xf32>
    %add3A_288 = arith.addf %add3A_285, %squeeze3A_287 : f32
    %broadcast_in_dim3A_289 = vector.broadcast %add3A_288 : f32 to vector<16xf32>
    %swap3A = arith.constant 0 : index
    %swap3A_290 = tpu.vector_load %arg18[%swap3A] {strides = array<i32>} : memref<16xf32, #tpu.memory_space<vmem>>, vector<16xf32>,
    %swap3A_291 = vector.shape_cast %swap3A_290 : vector<16xf32> to vector<16xf32>
    %swap3A_292 = vector.shape_cast %broadcast_in_dim3A_289 : vector<16xf32> to vector<16xf32>
    tpu.vector_store %arg18[%swap3A], %swap3A_292 {strides = array<i32>} : memref<16xf32, #tpu.memory_space<vmem>>, vector<16xf32>,
    "tpu.region"() ({
      %run_scoped3A = tpu.sem_alloc : memref<!tpu.dma_semaphore, #tpu.memory_space<semaphore_mem>>
      %dma_start3A_293 = arith.constant 0 : i32
      %dma_start3A_294 = tpu.memref_slice %arg5[%add3A, %dma_start3A_293] : memref<32x16xf32, #tpu.memory_space<hbm>> -> memref<1x16xf32, #tpu.memory_space<hbm>>
      %dma_start3A_295 = tpu.memref_squeeze %dma_start3A_294 : memref<1x16xf32, #tpu.memory_space<hbm>> -> memref<16xf32, #tpu.memory_space<hbm>>
      %dma_start3A_296 = arith.constant 0 : i32
      %dma_start3A_297 = tpu.memref_slice %arg5[%add3A, %dma_start3A_296] : memref<32x16xf32, #tpu.memory_space<hbm>> -> memref<1x16xf32, #tpu.memory_space<hbm>>
      %dma_start3A_298 = tpu.memref_squeeze %dma_start3A_297 : memref<1x16xf32, #tpu.memory_space<hbm>> -> memref<16xf32, #tpu.memory_space<hbm>>
      tpu.enqueue_dma source(%arg18 : memref<16xf32, #tpu.memory_space<vmem>>) target(%dma_start3A_298 : memref<16xf32, #tpu.memory_space<hbm>>) target_semaphore(%run_scoped3A : memref<!tpu.dma_semaphore, #tpu.memory_space<semaphore_mem>>)
      %dma_wait3A_299 = arith.constant 0 : i32
      %dma_wait3A_300 = tpu.memref_slice %arg5[%add3A, %dma_wait3A_299] : memref<32x16xf32, #tpu.memory_space<hbm>> -> memref<1x16xf32, #tpu.memory_space<hbm>>
      %dma_wait3A_301 = tpu.memref_squeeze %dma_wait3A_300 : memref<1x16xf32, #tpu.memory_space<hbm>> -> memref<16xf32, #tpu.memory_space<hbm>>
      %dma_wait3A_302 = arith.constant 0 : i32
      %dma_wait3A_303 = tpu.memref_slice %arg5[%add3A, %dma_wait3A_302] : memref<32x16xf32, #tpu.memory_space<hbm>> -> memref<1x16xf32, #tpu.memory_space<hbm>>
      %dma_wait3A_304 = tpu.memref_squeeze %dma_wait3A_303 : memref<1x16xf32, #tpu.memory_space<hbm>> -> memref<16xf32, #tpu.memory_space<hbm>>
      tpu.wait_dma2 semaphore(%run_scoped3A : memref<!tpu.dma_semaphore, #tpu.memory_space<semaphore_mem>>) src(%arg18 : memref<16xf32, #tpu.memory_space<vmem>>) dst(%dma_wait3A_304 : memref<16xf32, #tpu.memory_space<hbm>>)
      tpu.yield
    }) : () -> ()
    return
  }
}

</mosaic_0001>

<sc_bundles>
// kernel: kernel.3.cloned.1.call-start
scs
__scs_entry_jumppad:
0x0: {  	(pc) =	sbr.rel $0x88, $3  }
0x1: {  	(tag) =	ssettag $0x0;
	lr =	simm.s32 $0x1  }
0x2: {  	[smem:$0x3F97] =	sst lr;
	_ =	strace $0xD0000000  }
0x3: {  	_ = 	snop  }
0x4: {  	_ = 	snop  }
0x5: {  	_ = 	snop  }
0x6: {  	_ = 	snop  }
0x7: {  	_ = 	snop  }
__scs_overlays_trampoline_lowered:
0x8: {  	[smem:$0x3FA6] =	sst s0  }
0x9: {  	[smem:$0x3FA7] =	sst s1  }
0xa: {  	[smem:$0x3FA8] =	sst s2  }
0xb: {  	[smem:$0x3FA9] =	sst s3  }
0xc: {  	[smem:$0x3FAA] =	sst s4  }
0xd: {  	[smem:$0x3FAB] =	sst s5  }
0xe: {  	[smem:$0x3FAC] =	sst s6  }
0xf: {  	[smem:$0x3FAD] =	sst s7  }
0x10: {  	[smem:$0x3FAE] =	sst s8  }
0x11: {  	[smem:$0x3FAF] =	sst s9;
	s0 =	simm.s32 @!p0 $0x0  }
0x12: {  	s1 =	sld [smem:$0x3F95];
	s0 =	simm.s32 @p0 $0x1  }
0x13: {  	[smem:$0x3FB0] =	sst s0;
	s0 =	simm.s32 @!p1 $0x0  }
0x14: {  	s2 =	sld [smem:$0x3F94];
	s0 =	simm.s32 @p1 $0x1  }
0x15: {  	[smem:$0x3FB1] =	sst s0;
	s0 =	simm.s32 @!p2 $0x0  }
0x16: {  	s3 =	sld [smem:$0x3FDB];
	s0 =	simm.s32 @p2 $0x1  }
0x17: {  	s4 =	simm.s32 $0x1BF5;
	[smem:$0x3FB3] =	sst s0  }
0x18: {  	s0 =	sld [smem:$0x3F96];
	_ =	swait.ge [sflag:s4], $0x0  }
0x19: {  	s7 =	sld [smem:$0x3F97]  }
0x1a: {  	s8 =	sadd.s32 $0xFFFFE003, lr  }
0x1b: {  	s9 =	sadd.s32 $0xFFFFFEF7, lr;
	s5 =	simm.s32 $0xFFFFFFFF;
	p2 =	slt.u32 s8, $0xFFFFF086  }
0x1c: {  	p1 =	slt.u32 s9, $0xF7A;
	s5 =	simm.s32 @!p2 $0x0  }
0x1d: {  	s5 =	simm.s32 @p1 $0x1;
	p0 =	seq.s32 s7, s2  }
0x1e: {  	s7 =	smul.u32 @!p0 $0xF7A, s2;
	p2 =	seq.s32 @!p0 s5, $0x0  }
0x1f: {  	s9 =	smul.u32 $0xF7A, s1;
	s8 =	simm.s32 @!p0 $0x1BF5;
	p2 =	por !p2, p0  }
0x20: {  	[sflag:s8] =	ssyncset.s32 @!p0 $0xFFFFF086;
	s6 =	sadd.s32 @!p0 s3, s7;
	s7 =	simm.s32 @!p0 $0x108  }
0x21: {  	s3 =	sadd.s32 s3, s9;
	s6 =	sadd.s32 @!p0 $0x88, s6;
	s7 =	simm.s32 @p2 $0x1082  }
0x22: {  	[simem:s7], [sflag:s8] =	dma.local @!p0 [hbm:s6], $0xF7A  }
0x23: {  	s9 =	sor.u32 $0xD0000000, s2;
	s6 =	simm.s32 $0x108;
	_ =	swait.ge @!p0 [sflag:s8], $0x0  }
0x24: {  	s3 =	sadd.s32 $0x88, s3;
	s6 =	simm.s32 @!p1 $0x1082;
	[sflag:s4] =	ssyncset.s32 $0xFFFFF086  }
0x25: {  	[simem:s6], [sflag:s4] =	dma.local [hbm:s3], $0xF7A  }
0x26: {  	[smem:$0x3F97] =	sst s1;
	(tag) =	ssettag s2;
	_ =	strace s9  }
0x27: {  	s1 =	sld [smem:$0x3FA7]  }
0x28: {  	s2 =	sld [smem:$0x3FA8]  }
0x29: {  	s4 =	sld [smem:$0x3FAA]  }
0x2a: {  	p0 =	seq.s32 s5, $0x0;
	s5 =	sld [smem:$0x3FAB]  }
0x2b: {  	s6 =	sld [smem:$0x3FAC]  }
0x2c: {  	s7 =	sld [smem:$0x3FAD]  }
0x2d: {  	s3 =	simm.s32 $0x108;
	s8 =	sld [smem:$0x3FAE]  }
0x2e: {  	s3 =	simm.s32 @!p0 $0x1082;
	s9 =	sld [smem:$0x3FAF]  }
0x2f: {  	lr =	sadd.s32 s0, s3;
	s0 =	sld [smem:$0x3FA6]  }
0x30: {  	s3 =	sld [smem:$0x3FA9]  }
0x31: {  	[smem:$0x3FB2] =	sst s10  }
0x32: {  	s10 =	sld [smem:$0x3FB0];
	_ =	sdelay $0x3  }
0x33: {  	p0 =	seq.s32 s10, $0x1;
	s10 =	sld [smem:$0x3FB2];
	_ =	sdelay $0x3  }
0x34: {  	[smem:$0x3FB2] =	sst s10  }
0x35: {  	s10 =	sld [smem:$0x3FB1];
	_ =	sdelay $0x3  }
0x36: {  	p1 =	seq.s32 s10, $0x1;
	s10 =	sld [smem:$0x3FB2];
	_ =	sdelay $0x3  }
0x37: {  	[smem:$0x3FB2] =	sst s10  }
0x38: {  	s10 =	sld [smem:$0x3FB3]  }
0x39: {  	_ = 	snop;
	(pc) =	sbr.ind lr, $3  }
0x3a: {  	_ = 	snop  }
0x3b: {  	_ = 	snop  }
0x3c: {  	p2 =	seq.s32 s10, $0x1;
	s10 =	sld [smem:$0x3FB2]  }
0x3d: {  	_ =	shalt  }
0x3e: {  	_ =	shalt  }
0x3f: {  	_ =	shalt  }
0x40: {  	_ =	shalt  }
0x41: {  	_ =	shalt  }
0x42: {  	_ =	shalt  }
0x43: {  	_ =	shalt  }
0x44: {  	_ =	shalt  }
0x45: {  	_ =	shalt  }
0x46: {  	_ =	shalt  }
0x47: {  	_ =	shalt  }
0x48: {  	_ =	shalt  }
0x49: {  	_ =	shalt  }
0x4a: {  	_ =	shalt  }
0x4b: {  	_ =	shalt  }
0x4c: {  	_ =	shalt  }
0x4d: {  	_ =	shalt  }
0x4e: {  	_ =	shalt  }
0x4f: {  	_ =	shalt  }
0x50: {  	_ =	shalt  }
0x51: {  	_ =	shalt  }
0x52: {  	_ =	shalt  }
0x53: {  	_ =	shalt  }
0x54: {  	_ =	shalt  }
0x55: {  	_ =	shalt  }
0x56: {  	_ =	shalt  }
0x57: {  	_ =	shalt  }
0x58: {  	_ =	shalt  }
0x59: {  	_ =	shalt  }
0x5a: {  	_ =	shalt  }
0x5b: {  	_ =	shalt  }
0x5c: {  	_ =	shalt  }
0x5d: {  	_ =	shalt  }
0x5e: {  	_ =	shalt  }
0x5f: {  	_ =	shalt  }
0x60: {  	_ =	shalt  }
0x61: {  	_ =	shalt  }
0x62: {  	_ =	shalt  }
0x63: {  	_ =	shalt  }
0x64: {  	_ =	shalt  }
0x65: {  	_ =	shalt  }
0x66: {  	_ =	shalt  }
0x67: {  	_ =	shalt  }
0x68: {  	_ =	shalt  }
0x69: {  	_ =	shalt  }
0x6a: {  	_ =	shalt  }
0x6b: {  	_ =	shalt  }
0x6c: {  	_ =	shalt  }
0x6d: {  	_ =	shalt  }
0x6e: {  	_ =	shalt  }
0x6f: {  	_ =	shalt  }
0x70: {  	_ =	shalt  }
0x71: {  	_ =	shalt  }
0x72: {  	_ =	shalt  }
0x73: {  	_ =	shalt  }
0x74: {  	_ =	shalt  }
0x75: {  	_ =	shalt  }
0x76: {  	_ =	shalt  }
0x77: {  	_ =	shalt  }
0x78: {  	_ =	shalt  }
0x79: {  	_ =	shalt  }
0x7a: {  	_ =	shalt  }
0x7b: {  	_ =	shalt  }
0x7c: {  	_ =	shalt  }
0x7d: {  	_ =	shalt  }
0x7e: {  	_ =	shalt  }
0x7f: {  	_ =	shalt  }
0x80: {  	_ =	shalt  }
0x81: {  	_ =	shalt  }
0x82: {  	_ =	shalt  }
0x83: {  	_ =	shalt  }
0x84: {  	_ =	shalt  }
0x85: {  	_ =	shalt  }
0x86: {  	_ =	shalt  }
0x87: {  	_ =	shalt  }
.Lfunc_end0:
.L_simem_size_0:
called_computation_lowered:
.L_overlay_start_0:
0x88: {  	s2 =	sld [smem:$0x3FD9]  }
0x89: {  	s3 =	sld [smem:$0x3FFE];
	_ =	sdelay $0x1  }
0x8a: {  	s1 =	srdreg.scid  }
0x8b: {  	s0 =	sand.u32 $0x1, s1  }
0x8c: {  	s16 =	sshll.u32 s0, $0xA;
	s2 =	sadd.s32 s3, s2  }
0x8d: {  	s2 =	sadd.s32 s2, s16  }
0x8e: {  	[smem:$0x3FBE] =	sst s2  }
0x8f: {  	_ = 	snop  }
0x90: {  	(tm) =	ssettm $0x1  }
0x91: {  	s17 =	sld [smem:$0x3FFB];
	_ =	sdelay $0x3  }
0x92: {  	_ =	strace s17  }
0x93: {  	s2 =	sld [smem:$0x3FFC];
	_ =	sdelay $0x3  }
0x94: {  	_ =	strace s2  }
0x95: {  	s2 =	sld [smem:$0x3FFD];
	_ =	sdelay $0x3  }
0x96: {  	_ =	strace s2  }
0x97: {  	_ =	strace $0x8FFFFFFF  }
0x98: {  	s18 =	sld [smem:$0x3FDB];
	_ =	sdelay $0x1  }
0x99: {  	s19 =	simm.s32 $_scs_section_size  }
0x9a: {  	s4 =	simm.s32 $_size__tile_overlayer_lowered;
	s5 =	simm.s32 $_tile_overlayer_lowered  }
0x9b: {  	s22 =	simm.s32 $0x1BFF;
	s21 =	sshll.u32 s5, $0x1;
	s2 =	sadd.s32 s19, s18  }
0x9c: {  	s6 =	simm.s32 $0x0;
	s20 =	sshll.u32 s4, $0x1;
	s4 =	sadd.s32 s21, s2  }
0x9d: {  	[timem:s6], [sflag:s22] =	dma.local [hbm:s4], s20  }
0x9e: {  	_ =	swait.ge [sflag:s22], s20  }
0x9f: {  	s3 =	ssub.s32 $0x0, s20;
	[sflag:s22] =	ssyncset.done $0x0  }
0xa0: {  	[sflag:s22] =	ssyncadd.s32 s3;
	_ =	sdelay $0x1  }
0xa1: {  	s23 =	simm.s32 $0x1B8B  }
0xa2: {  	_ =	swait.ge [sflag:s23], $0x1  }
0xa3: {  	[sflag:s23] =	ssyncset.done $0x0  }
0xa4: {  	s25 =	simm.s32 $0x1B8E;
	s24 =	sld [smem:$0x3FFE];
	[sflag:s23] =	ssyncadd.s32 $0xFFFFFFFF  }
0xa5: {  	s26 =	simm.s32 $execute0_lowered;
	[smem:$0x3FD2] =	sst s25  }
0xa6: {  	s4 =	sshll.u32 s26, $0x1;
	_ =	strace $0x80000046;
	[dreg:$0x1] =	wrdreg $0xFFFFFFFF  }
0xa7: {  	s28 =	simm.s32 $_size_execute0_lowered;
	s2 =	sadd.s32 s2, s4;
	[dreg:$0x0] =	wrdreg $0x0  }
0xa8: {  	s4 =	sshll.u32 s28, $0x1;
	[dreg:$0x2] =	wrdreg s2  }
0xa9: {  	[dreg:$0x3] =	wrdreg s4  }
0xaa: {  	[dreg:$0x4] =	wrdreg $0xC0  }
0xab: {  	_ =	task [dreg:s6], $0x5FFFF  }
0xac: {  	[dreg:$0x1] =	wrdreg $0xFFFFFFFF  }
0xad: {  	[dreg:$0x0] =	wrdreg $0x60  }
0xae: {  	[dreg:$0x2] =	wrdreg s24  }
0xaf: {  	[dreg:$0x3] =	wrdreg $0x9  }
0xb0: {  	_ =	task.clear_ibuf [dreg:s6], $0x4FFFF;
	_ =	strace $0x90000046  }
0xb1: {  	s29 =	simm.s32 $0x9;
	_ =	strace $0x80000048  }
0xb2: {  	_ =	swait.ge [sflag:s29], $0x1  }
0xb3: {  	[sflag:s29] =	ssyncadd.s32 $0xFFFFFFFF  }
0xb4: {  	_ =	strace $0x90000048  }
0xb5: {  	_ =	sfence  }
0xb6: {  	s30 =	sld [smem:$0x0];
	_ =	sdelay $0x2  }
0xb7: {  	s31 =	sshll.u32 s1, $0xD;
	s1 =	sshrl.u32 s1, $0x2  }
0xb8: {  	s3 =	sand.u32 $0x4000, s31;
	s1 =	sadd.s32 s1, s30  }
0xb9: {  	s0 =	sor.u32 s3, s0;
	s1 =	sshll.u32 s1, $0x11  }
0xba: {  	s0 =	sor.u32 s1, s0  }
0xbb: {  	s0 =	sadd.s32 $0x8F2B, s0  }
0xbc: {  	[sflag:s0] =	ssyncadd.remote.s32 $0x1  }
0xbd: {  	_ =	sfence.sel $0xFFFF  }
0xbe: {  	[dreg:$0x0] =	wrdreg $0xFFFFFFFF;
	(pc) =	sbr.abs _section_cstart, $3  }
0xbf: {  	[dreg:$0x1] =	wrdreg $0xFFFFFFFF  }
0xc0: {  	_ =	task.clear_ibuf [dreg:s6], $0x2FFFF;
	_ =	strace $0x9FFFFFFF  }
0xc1: {  	(tm) =	ssettm $0x7FFFFFFF  }
tec
execute0_lowered:
.L_overlay_start_1:
0x0: {  	(tag) =	ssettag $0x1  }
0x1: {  	s0 =	srdreg.scid;
	s11 =	stileid.u32  }
0x2: {  	s2 =	simm.s32 $0x1;
	s5 =	rddreg [dreg:$0x0];
	s29 =	simm.s32 $0x1500  }
0x3: {  	s30 =	simm.s32 $0xD80;
	s31 =	simm.s32 $0x1380;
	s0 =	sand.u32 $0x1, s0  }
0x4: {  	s6 =	sand.u32 $0x3, s11;
	s4 =	sadd.s32 $0x20200, s5;
	s10 =	sadd.s32 $0x40200, s5  }
0x5: {  	s1 =	sshll.u32 s0, $0x4;
	p1 =	sne.s32 s6, $0x0;
	s0 =	ssub.s32 $0x2, s0  }
0x6: {  	s14 =	sshll.u32 s6, $0xA;
	s6 =	sshll.u32 s6, $0x9;
	s1 =	sor.u32 s11, s1  }
0x7: {  	s11 =	sshll.u32 s11, $0x4;
	s13 =	sshrl.u32 s0, $0x1;
	p0 =	seq.s32 s1, $0x0  }
0x8: {  	s3 =	sshrl.u32 s1, $0x2;
	s16 =	sand.u32 $0x70, s11;
	s0 =	ssub.s32 s0, s13  }
0x9: {  	s1 =	sshll.u32 s1, $0x4;
	s13 =	simm.s32 $0x1000;
	p0 =	por !p1, !p0  }
0xa: {  	s18 =	sadd.s32 s16, s5;
	s1 =	sand.u32 $0x180, s1;
	p0 =	por !p0, !p0  }
0xb: {  	s16 =	simm.s32 $0x80;
	s1 =	sadd.s32 s1, s18;
	s2 =	simm.s32 @!p0 $0x0  }
0xc: {  	s18 =	simm.s32 $0x1080;
	s7 =	ssub.s32 s3, s2;
	s2 =	simm.s32 $0x0  }
0xd: {  	s3 =	sand.u32 $0x80, s7;
	[smem:$0x7FF] =	sst s2;
	p5 =	slt.s32 s7, $0x1  }
0xe: {  	s19 =	sshll.u32 s7, $0xC;
	s3 =	sshrl.u32 s3, $0x7;
	_ =	strace $0x80000047  }
0xf: {  	s20 =	sor.u32 s14, s19;
	s14 =	simm.s32 $0x1600;
	s19 =	simm.s32 $0x1680  }
0x10: {  	s8 =	sadd.s32 s3, s7;
	s3 =	sadd.s32 $0x200, s5;
	s5 =	simm.s32 $0x1  }
0x11: {  	s21 =	sadd.s32 $0x8000, s20;
	s23 =	sshrl.u32 s20, $0x3;
	s20 =	simm.s32 $0x1180  }
0x12: {  	s9 =	sand.u32 $0xFFFFFFFE, s8;
	s8 =	sshrl.u32 s8, $0x1;
	s24 =	sshrl.u32 s21, $0x3  }
0x13: {  	s11 =	smov.u32 s3;
	s21 =	simm.s32 $0x1780;
	s12 =	ssub.s32 s7, s9  }
0x14: {  	s9 =	simm.s32 $0x1;
	s7 =	sshll.u32 s7, $0xB;
	s17 =	sand.u32 $0xFF, s12  }
0x15: {  	s22 =	sor.u32 s6, s7;
	s6 =	sadd.s32 s10, s23;
	s7 =	sadd.s32 s10, s24  }
0x16: {  	s28 =	sand.u32 $0x1, s12;
	s12 =	smax.u32 s0, $0x1;
	p6 =	sne.s32 s17, $0x0  }
0x17: {  	s0 =	simm.s32 $0x1580;
	s23 =	simm.s32 $0x2;
	p0 =	por !p5, !p6  }
0x18: {  	s24 =	simm.s32 $0x0;
	s25 =	sadd.s32 $0x10000, s22;
	p0 =	por !p0, !p0  }
0x19: {  	s26 =	sadd.s32 $0x14000, s22;
	s17 =	simm.s32 $0x1700;
	s9 =	simm.s32 @!p0 $0x0  }
0x1a: {  	p0 =	seq.s32 s28, $0x1;
	s15 =	ssub.s32 s8, s9;
	s8 =	sshrl.u32 s25, $0x3  }
0x1b: {  	s9 =	sshrl.u32 s26, $0x3;
	s11 =	smov.u32 @p0 s4;
	s8 =	sadd.s32 s10, s8  }
0x1c: {  	s9 =	sadd.s32 s10, s9;
	s22 =	sshll.u32 s15, $0x12;
	s10 =	sadd.s32 $0x43200, s1  }
0x1d: {  	s1 =	simm.s32 $0xF80;
	s15 =	simm.s32 $0x1100;
	v0 =	vmov s22;
	s22 =	simm.s32 $0x1800  }
.LBB2_1:
0x1e: {  	[tilespmem:s2], [sflag:$0x1] =	stream.linear.gather [hbm4b:s6+s2], $0x400, $0x38;
	[tilespmem:$0x1880] =	vst v63  }
0x1f: {  	s25 =	simm.s32 $0x400  }
0x20: {  	[tilespmem:s25], [sflag:$0x1] =	stream.linear.gather [hbm4b:s7+s2], $0x400, $0x38;
	[tilespmem:$0x1880] =	vst v63  }
0x21: {  	s26 =	simm.s32 $0x800  }
0x22: {  	[tilespmem:s26], [sflag:$0x1] =	stream.linear.gather [hbm4b:s8+s2], $0x200, $0x38;
	[tilespmem:$0x1880] =	vst v63  }
0x23: {  	s28 =	simm.s32 $0xA00  }
0x24: {  	[tilespmem:s28], [sflag:$0x1] =	stream.linear.gather [hbm4b:s9+s2], $0x200, $0x38;
	[tilespmem:$0x1880] =	vst v63  }
0x25: {  	_ =	swait.ge [sflag:s5], $0x400  }
0x26: {  	[sflag:s5] =	ssyncset.done $0x0  }
0x27: {  	[sflag:s5] =	ssyncadd.s32 $0xFFFFFC00  }
0x28: {  	_ =	swait.ge [sflag:s5], $0x400  }
0x29: {  	[sflag:s5] =	ssyncset.done $0x0  }
0x2a: {  	[sflag:s5] =	ssyncadd.s32 $0xFFFFFC00  }
0x2b: {  	_ =	swait.ge [sflag:s5], $0x200  }
0x2c: {  	[sflag:s5] =	ssyncset.done $0x0  }
0x2d: {  	[sflag:s5] =	ssyncadd.s32 $0xFFFFFE00  }
0x2e: {  	_ =	swait.ge [sflag:s5], $0x200  }
0x2f: {  	[sflag:s5] =	ssyncset.done $0x0  }
0x30: {  	s25 =	simm.s32 $0x0;
	[sflag:s5] =	ssyncadd.s32 $0xFFFFFE00  }
0x31: {  	v1 =	vld [tilespmem:s25+$0x400]  }
0x32: {  	v2 =	vld [tilespmem:s25+$0x600]  }
0x33: {  	v3 =	vld [tilespmem:s25+$0x0]  }
0x34: {  	v4 =	vld [tilespmem:s25+$0x200]  }
0x35: {  	s26 =	simm.s32 $0x40  }
.LBB2_2:
0x36: {  	s28 =	sshra.s32 s26, $0x2;
	p0 =	sne.s32 s26, $0x7C0  }
.Ltmp0:
0x37: {  	s26 =	sadd.s32 $0x40, s26;
	v5 =	vshll.u32 v1, $0x9;
	v1 =	vld [tilespmem:s28+$0x400];
	v6 =	vadd.s32 v0, v2;
	(pc) =	sbr.rel @p0 .LBB2_2-.Ltmp0, $4  }
0x38: {  	v2 =	vld [tilespmem:s28+$0x600];
	v7 =	vshll.u32 v3, $0x9;
	v5 =	vadd.s32 v5, v6  }
0x39: {  	v3 =	vld [tilespmem:s28+$0x0];
	v6 =	vadd.s32 v0, v4;
	[tilespmem:s25+$0xE00] =	vst v5  }
0x3a: {  	v4 =	vld [tilespmem:s28+$0x200];
	v5 =	vadd.s32 v7, v6  }
0x3b: {  	[tilespmem:s25+$0xC00] =	vst v5;
	s25 =	smov.u32 s28  }
0x3c: {  	_ =	sdelay $0x1  }
0x3d: {  	v1 =	vshll.u32 v1, $0x9;
	v2 =	vadd.s32 v0, v2  }
0x3e: {  	v3 =	vshll.u32 v3, $0x9;
	v1 =	vadd.s32 v1, v2;
	v2 =	vadd.s32 v0, v4  }
0x3f: {  	[tilespmem:s25+$0xE00] =	vst v1;
	v1 =	vadd.s32 v3, v2  }
0x40: {  	[tilespmem:s25+$0xC00] =	vst v1;
	s25 =	simm.s32 $0x0  }
0x41: {  	v1 =	vld [tilespmem:s25+$0xA00]  }
0x42: {  	v2 =	vld [tilespmem:s25+$0xB00]  }
0x43: {  	v3 =	vld [tilespmem:s25+$0x800]  }
0x44: {  	v4 =	vld [tilespmem:s25+$0x900]  }
0x45: {  	s26 =	simm.s32 $0x40  }
.LBB2_4:
0x46: {  	s28 =	sshra.s32 s26, $0x2;
	p0 =	sne.s32 s26, $0x3C0  }
.Ltmp1:
0x47: {  	s26 =	sadd.s32 $0x40, s26;
	v5 =	vshll.u32 v1, $0x9;
	v1 =	vld [tilespmem:s28+$0xA00];
	v6 =	vadd.s32 v0, v2;
	(pc) =	sbr.rel @p0 .LBB2_4-.Ltmp1, $4  }
0x48: {  	v2 =	vld [tilespmem:s28+$0xB00];
	v7 =	vshll.u32 v3, $0x9;
	v5 =	vadd.s32 v5, v6  }
0x49: {  	v3 =	vld [tilespmem:s28+$0x800];
	v6 =	vadd.s32 v0, v4;
	[tilespmem:s25+$0x1100] =	vst v5  }
0x4a: {  	v4 =	vld [tilespmem:s28+$0x900];
	v5 =	vadd.s32 v7, v6  }
0x4b: {  	[tilespmem:s25+$0x1000] =	vst v5;
	s25 =	smov.u32 s28  }
0x4c: {  	_ =	sdelay $0x1  }
0x4d: {  	v1 =	vshll.u32 v1, $0x9;
	v2 =	vadd.s32 v0, v2  }
0x4e: {  	v3 =	vshll.u32 v3, $0x9;
	v1 =	vadd.s32 v1, v2;
	v2 =	vadd.s32 v0, v4  }
0x4f: {  	[tilespmem:s25+$0x1100] =	vst v1;
	v1 =	vadd.s32 v3, v2  }
0x50: {  	s28 =	simm.s32 $0xC00;
	s26 =	simm.s32 $0x1200;
	[tilespmem:s25+$0x1000] =	vst v1  }
0x51: {  	[tilespmem:s26], [sflag:$0x1] =	stream.indirect.gather [hbm4b:s3+s16], $0x1, s28, s16, $0xb8;
	[tilespmem:$0x1880] =	vst v63  }
0x52: {  	s26 =	simm.s32 $0xE00;
	s28 =	simm.s32 $0x1400  }
0x53: {  	[tilespmem:s28], [sflag:$0x1] =	stream.indirect.gather [hbm4b:s4+s16], $0x1, s26, s16, $0xb8;
	[tilespmem:$0x1880] =	vst v63  }
0x54: {  	s26 =	simm.s32 $0xC80;
	s28 =	simm.s32 $0x1280  }
0x55: {  	[tilespmem:s28], [sflag:$0x1] =	stream.indirect.gather [hbm4b:s3+s16], $0x1, s26, s16, $0xb8;
	[tilespmem:$0x1880] =	vst v63  }
0x56: {  	s26 =	simm.s32 $0xE80;
	s28 =	simm.s32 $0x1480  }
0x57: {  	[tilespmem:s28], [sflag:$0x1] =	stream.indirect.gather [hbm4b:s4+s16], $0x1, s26, s16, $0xb8;
	[tilespmem:$0x1880] =	vst v63  }
0x58: {  	s26 =	simm.s32 $0xD00;
	s28 =	simm.s32 $0x1300  }
0x59: {  	[tilespmem:s28], [sflag:$0x1] =	stream.indirect.gather [hbm4b:s3+s16], $0x1, s26, s16, $0xb8;
	[tilespmem:$0x1880] =	vst v63  }
0x5a: {  	s26 =	simm.s32 $0xF00  }
0x5b: {  	[tilespmem:s29], [sflag:$0x1] =	stream.indirect.gather [hbm4b:s4+s16], $0x1, s26, s16, $0xb8;
	[tilespmem:$0x1880] =	vst v63  }
0x5c: {  	_ = 	snop  }
0x5d: {  	[tilespmem:s31], [sflag:$0x1] =	stream.indirect.gather [hbm4b:s3+s16], $0x1, s30, s16, $0xb8;
	[tilespmem:$0x1880] =	vst v63  }
0x5e: {  	_ = 	snop  }
0x5f: {  	[tilespmem:s0], [sflag:$0x1] =	stream.indirect.gather [hbm4b:s4+s16], $0x1, s1, s16, $0xb8;
	[tilespmem:$0x1880] =	vst v63  }
0x60: {  	_ = 	snop  }
0x61: {  	[tilespmem:s14], [sflag:$0x1] =	stream.indirect.gather [hbm4b:s11+s16], $0x1, s13, s16, $0xb8;
	[tilespmem:$0x1880] =	vst v63  }
0x62: {  	_ = 	snop  }
0x63: {  	[tilespmem:s17], [sflag:$0x1] =	stream.indirect.gather [hbm4b:s11+s16], $0x1, s15, s16, $0xb8;
	[tilespmem:$0x1880] =	vst v63  }
0x64: {  	_ = 	snop  }
0x65: {  	[tilespmem:s19], [sflag:$0x1] =	stream.indirect.gather [hbm4b:s11+s16], $0x1, s18, s16, $0xb8;
	[tilespmem:$0x1880] =	vst v63  }
0x66: {  	_ = 	snop  }
0x67: {  	[tilespmem:s21], [sflag:$0x1] =	stream.indirect.gather [hbm4b:s11+s16], $0x1, s20, s16, $0xb8;
	[tilespmem:$0x1880] =	vst v63  }
0x68: {  	_ =	swait.ge [sflag:s5], $0x80  }
0x69: {  	[sflag:s5] =	ssyncset.done $0x0  }
0x6a: {  	[sflag:s5] =	ssyncadd.s32 $0xFFFFFF80  }
0x6b: {  	_ =	swait.ge [sflag:s5], $0x80  }
0x6c: {  	[sflag:s5] =	ssyncset.done $0x0  }
0x6d: {  	[sflag:s5] =	ssyncadd.s32 $0xFFFFFF80  }
0x6e: {  	_ =	swait.ge [sflag:s5], $0x80  }
0x6f: {  	[sflag:s5] =	ssyncset.done $0x0  }
0x70: {  	[sflag:s5] =	ssyncadd.s32 $0xFFFFFF80  }
0x71: {  	_ =	swait.ge [sflag:s5], $0x80  }
0x72: {  	[sflag:s5] =	ssyncset.done $0x0  }
0x73: {  	[sflag:s5] =	ssyncadd.s32 $0xFFFFFF80  }
0x74: {  	_ =	swait.ge [sflag:s5], $0x80  }
0x75: {  	[sflag:s5] =	ssyncset.done $0x0  }
0x76: {  	[sflag:s5] =	ssyncadd.s32 $0xFFFFFF80  }
0x77: {  	_ =	swait.ge [sflag:s5], $0x80  }
0x78: {  	[sflag:s5] =	ssyncset.done $0x0  }
0x79: {  	[sflag:s5] =	ssyncadd.s32 $0xFFFFFF80  }
0x7a: {  	_ =	swait.ge [sflag:s5], $0x80  }
0x7b: {  	[sflag:s5] =	ssyncset.done $0x0  }
0x7c: {  	[sflag:s5] =	ssyncadd.s32 $0xFFFFFF80  }
0x7d: {  	_ =	swait.ge [sflag:s5], $0x80  }
0x7e: {  	[sflag:s5] =	ssyncset.done $0x0  }
0x7f: {  	[sflag:s5] =	ssyncadd.s32 $0xFFFFFF80  }
0x80: {  	_ =	swait.ge [sflag:s5], $0x80  }
0x81: {  	[sflag:s5] =	ssyncset.done $0x0  }
0x82: {  	[sflag:s5] =	ssyncadd.s32 $0xFFFFFF80  }
0x83: {  	_ =	swait.ge [sflag:s5], $0x80  }
0x84: {  	[sflag:s5] =	ssyncset.done $0x0  }
0x85: {  	[sflag:s5] =	ssyncadd.s32 $0xFFFFFF80  }
0x86: {  	_ =	swait.ge [sflag:s5], $0x80  }
0x87: {  	[sflag:s5] =	ssyncset.done $0x0  }
0x88: {  	[sflag:s5] =	ssyncadd.s32 $0xFFFFFF80  }
0x89: {  	_ =	swait.ge [sflag:s5], $0x80  }
0x8a: {  	[sflag:s5] =	ssyncset.done $0x0  }
0x8b: {  	s28 =	simm.s32 $0x0;
	[sflag:s5] =	ssyncadd.s32 $0xFFFFFF80  }
0x8c: {  	v2 =	vld [tilespmem:s28+$0x1200]  }
0x8d: {  	v3 =	vld [tilespmem:s28+$0x1400];
	_ =	sdelay $0x2  }
0x8e: {  	v1 =	vimm.f32 $0.0e+00;
	s25 =	simm.s32 $0x40  }
.LBB2_6:
0x8f: {  	s26 =	sshra.s32 s25, $0x2;
	p0 =	seq.s32 s25, $0x7C0  }
.Ltmp2:
0x90: {  	s25 =	sadd.s32 $0x40, s25;
	v4 =	vsub.f32 v2, v3;
	v2 =	vld [tilespmem:s26+$0x1200];
	(pc) =	sbr.rel @!p0 .LBB2_6-.Ltmp2, $3  }
0x91: {  	v3 =	vld [tilespmem:s26+$0x1400]  }
0x92: {  	v4 =	vmul.f32 v4, v4;
	_ =	sdelay $0x1  }
0x93: {  	v1 =	vadd.f32 v4, v1  }
0x94: {  	_ = 	snop  }
0x95: {  	v2 =	vsub.f32 v2, v3  }
0x96: {  	v4 =	vld [tilespmem:$0x1610]  }
0x97: {  	v5 =	vld [tilespmem:$0x1710];
	v2 =	vmul.f32 v2, v2  }
0x98: {  	v3 =	vld [tilespmem:$0x1700]  }
0x99: {  	v1 =	vadd.f32 v2, v1;
	v2 =	vld [tilespmem:$0x1600]  }
0x9a: {  	v6 =	vld [tilespmem:$0x1620]  }
0x9b: {  	v7 =	vld [tilespmem:$0x1720]  }
0x9c: {  	v8 =	vld [tilespmem:$0x1630]  }
0x9d: {  	v9 =	vld [tilespmem:$0x1730]  }
0x9e: {  	v31 =	vld [tilespmem:$0x1640];
	v2 =	vsub.f32 v2, v3;
	v3 =	vsub.f32 v4, v5  }
0x9f: {  	v32 =	vld [tilespmem:$0x1740]  }
0xa0: {  	v33 =	vld [tilespmem:$0x1650];
	v6 =	vsub.f32 v6, v7;
	v2 =	vmul.f32 v2, v2;
	v3 =	vmul.f32 v3, v3  }
0xa1: {  	v10 =	vld [tilespmem:$0x1750]  }
0xa2: {  	v35 =	vld [tilespmem:$0x1660];
	v34 =	vsub.f32 v8, v9;
	v2 =	vadd.f32 v3, v2;
	v3 =	vmul.f32 v6, v6  }
0xa3: {  	v36 =	vld [tilespmem:$0x1760]  }
0xa4: {  	v37 =	vld [tilespmem:$0x1670];
	v4 =	vsub.f32 v31, v32;
	v2 =	vadd.f32 v3, v2;
	v3 =	vmul.f32 v34, v34  }
0xa5: {  	v38 =	vld [tilespmem:$0x1770]  }
0xa6: {  	v40 =	vld [tilespmem:$0x1680];
	v39 =	vsub.f32 v33, v10;
	v2 =	vadd.f32 v3, v2;
	v3 =	vmul.f32 v4, v4  }
0xa7: {  	v41 =	vld [tilespmem:$0x1780]  }
0xa8: {  	v43 =	vld [tilespmem:$0x1690];
	v42 =	vsub.f32 v35, v36;
	v2 =	vadd.f32 v3, v2;
	v3 =	vmul.f32 v39, v39  }
0xa9: {  	v44 =	vld [tilespmem:$0x1790]  }
0xaa: {  	v46 =	vld [tilespmem:$0x16A0];
	v45 =	vsub.f32 v37, v38;
	v2 =	vadd.f32 v3, v2;
	v3 =	vmul.f32 v42, v42  }
0xab: {  	v47 =	vld [tilespmem:$0x17A0]  }
0xac: {  	v49 =	vld [tilespmem:$0x16B0];
	v48 =	vsub.f32 v40, v41;
	v2 =	vadd.f32 v3, v2;
	v3 =	vmul.f32 v45, v45  }
0xad: {  	v50 =	vld [tilespmem:$0x17B0]  }
0xae: {  	v52 =	vld [tilespmem:$0x16C0];
	v51 =	vsub.f32 v43, v44;
	v2 =	vadd.f32 v3, v2;
	v3 =	vmul.f32 v48, v48  }
0xaf: {  	v53 =	vld [tilespmem:$0x17C0]  }
0xb0: {  	v55 =	vld [tilespmem:$0x16D0];
	v54 =	vsub.f32 v46, v47;
	v2 =	vadd.f32 v3, v2;
	v3 =	vmul.f32 v51, v51  }
0xb1: {  	v56 =	vld [tilespmem:$0x17D0]  }
0xb2: {  	v58 =	vld [tilespmem:$0x16E0];
	v57 =	vsub.f32 v49, v50;
	v2 =	vadd.f32 v3, v2;
	v3 =	vmul.f32 v54, v54  }
0xb3: {  	v59 =	vld [tilespmem:$0x17E0]  }
0xb4: {  	v61 =	vld [tilespmem:$0x16F0];
	v60 =	vsub.f32 v52, v53;
	v2 =	vadd.f32 v3, v2;
	v3 =	vmul.f32 v57, v57  }
0xb5: {  	v62 =	vld [tilespmem:$0x17F0]  }
0xb6: {  	v4 =	vmul.f32 v60, v60;
	v2 =	vadd.f32 v3, v2;
	v3 =	vsub.f32 v55, v56;
	_ =	sdelay $0x1  }
0xb7: {  	v63 =	vsub.f32 v58, v59;
	v2 =	vadd.f32 v4, v2;
	v3 =	vmul.f32 v3, v3;
	_ =	sdelay $0x1  }
0xb8: {  	v4 =	vmul.f32 v63, v63;
	v2 =	vadd.f32 v3, v2;
	v3 =	vsub.f32 v61, v62;
	_ =	sdelay $0x1  }
0xb9: {  	v2 =	vadd.f32 v4, v2;
	v3 =	vmul.f32 v3, v3;
	_ =	sdelay $0x1  }
0xba: {  	v1 =	vadd.f32 v1, v1;
	v2 =	vadd.f32 v3, v2;
	_ =	sdelay $0x1  }
0xbb: {  	v1 =	vadd.f32 v2, v1;
	_ =	sdelay $0x1  }
0xbc: {  	v1 =	vmul.f32 $2.500000000e-01, v1;
	_ =	sdelay $0x1  }
0xbd: {  	(v2sf) =	vpush v1, $0x0;
	_ =	sdelay $0x1  }
0xbe: {  	(v2sf) =	vpush v1, $0x1;
	_ =	sdelay $0x1  }
0xbf: {  	(v2sf) =	vpush v1, $0x2;
	_ =	sdelay $0x1  }
0xc0: {  	(v2sf) =	vpush v1, $0x3;
	_ =	sdelay $0x1  }
0xc1: {  	(v2sf) =	vpush v1, $0x4;
	_ =	sdelay $0x1  }
0xc2: {  	(v2sf) =	vpush v1, $0x5;
	_ =	sdelay $0x1  }
0xc3: {  	(v2sf) =	vpush v1, $0x6;
	_ =	sdelay $0x1  }
0xc4: {  	(v2sf) =	vpush v1, $0x7  }
0xc5: {  	s25 =	spop (v2sf)  }
0xc6: {  	(v2sf) =	vpush v1, $0x8;
	s25 =	sadd.f32 $0.0e+00, s25  }
0xc7: {  	s26 =	spop (v2sf)  }
0xc8: {  	(v2sf) =	vpush v1, $0x9;
	s25 =	sadd.f32 s25, s26  }
0xc9: {  	s28 =	spop (v2sf)  }
0xca: {  	(v2sf) =	vpush v1, $0xA;
	s25 =	sadd.f32 s25, s28  }
0xcb: {  	s28 =	spop (v2sf)  }
0xcc: {  	(v2sf) =	vpush v1, $0xB;
	s25 =	sadd.f32 s25, s28  }
0xcd: {  	s28 =	spop (v2sf)  }
0xce: {  	(v2sf) =	vpush v1, $0xC;
	s25 =	sadd.f32 s25, s28  }
0xcf: {  	s28 =	spop (v2sf)  }
0xd0: {  	(v2sf) =	vpush v1, $0xD;
	s25 =	sadd.f32 s25, s28  }
0xd1: {  	s28 =	spop (v2sf)  }
0xd2: {  	(v2sf) =	vpush v1, $0xE;
	s25 =	sadd.f32 s25, s28  }
0xd3: {  	s28 =	spop (v2sf)  }
0xd4: {  	(v2sf) =	vpush v1, $0xF;
	s25 =	sadd.f32 s25, s28  }
0xd5: {  	s28 =	spop (v2sf)  }
0xd6: {  	s25 =	sadd.f32 s25, s28  }
0xd7: {  	s28 =	spop (v2sf)  }
0xd8: {  	s25 =	sadd.f32 s25, s28  }
0xd9: {  	s28 =	spop (v2sf)  }
0xda: {  	s25 =	sadd.f32 s25, s28  }
0xdb: {  	s28 =	spop (v2sf)  }
0xdc: {  	s25 =	sadd.f32 s25, s28  }
0xdd: {  	s28 =	spop (v2sf)  }
0xde: {  	s25 =	sadd.f32 s25, s28  }
0xdf: {  	s28 =	spop (v2sf)  }
0xe0: {  	s25 =	sadd.f32 s25, s28  }
0xe1: {  	s28 =	spop (v2sf)  }
0xe2: {  	s25 =	sadd.f32 s25, s28  }
0xe3: {  	s28 =	spop (v2sf)  }
0xe4: {  	s25 =	sadd.f32 s25, s28  }
0xe5: {  	s24 =	sadd.s32 $0x1, s24  }
0xe6: {  	p0 =	seq.s32 s24, s12;
	v1 =	vmov s25  }
.Ltmp3:
0xe7: {  	[tilespmem:$0x1800] =	vst v1;
	(pc) =	sbr.rel @!p0 .LBB2_1-.Ltmp3, $4  }
0xe8: {  	[hbm4b:s10+s2] =	stream.linear.scatter [tilespmem:s22], [sflag:$0x2], $0x80, $0x38;
	[tilespmem:$0x1880] =	vst v63  }
0xe9: {  	_ =	swait.ge [sflag:s23], $0x80  }
0xea: {  	[sflag:s23] =	ssyncset.done $0x0  }
0xeb: {  	[sflag:s23] =	ssyncadd.s32 $0xFFFFFF80  }
0xec: {  	_ =	sfence.sel $0x180000  }
0xed: {  	[bflag:$0x0] =	sbarrier.arrive $0xFFFF  }
0xee: {  	_ =	strace $0x90000047  }
0xef: {  	s0 =	stileid.u32;
	[bflag:$0x2] =	sbarrier.arrive $0xFFFF  }
0xf0: {  	p0 =	sne.s32 s0, $0x0;
	s0 =	rddreg [dreg:$0x1]  }
0xf1: {  	s0 =	sadd.s32 @!p0 $0x100000, s0  }
0xf2: {  	[sflag:s0] =	ssyncadd.tile.s32 @!p0 $0x1;
	_ =	shalt  }
.Lfunc_end2:
_tile_overlayer_lowered:
.L_overlay_start_2:
0xf3: {  	(tag) =	ssettag $0x2  }
0xf4: {  	s0 =	rddreg [dreg:$0x0];
	s2 =	stileid.u32  }
0xf5: {  	s1 =	rddreg [dreg:$0x1];
	p0 =	sne.s32 s2, $0x0  }
0xf6: {  	s3 =	rddreg [dreg:$0x2];
	[bflag:$0x3] =	sbarrier.arrive $0xFFFF;
	s2 =	simm.s32 @!p0 $0x1C02  }
0xf7: {  	[timem:s3], [sflag:s2] =	dma.local @!p0 [hbm:s0], s1  }
0xf8: {  	s0 =	simm.s32 @!p0 $0x2  }
0xf9: {  	_ =	swait.ge @!p0 [sflag:s0], s1  }
0xfa: {  	s1 =	ssub.s32 @!p0 $0x0, s1;
	[sflag:s0] =	ssyncset.done @!p0 $0x0  }
0xfb: {  	[sflag:s0] =	ssyncadd.s32 @!p0 s1  }
0xfc: {  	[bflag:$0x3] =	sbarrier.arrive $0xFFFF  }
0xfd: {  	_ =	shalt  }

</sc_bundles>
